<compile_context>
chip_gen: v7x
topology: tpu7x:2x2x1
jax: 0.10.2.dev20260603
libtpu: 0.0.44.dev20260713+nightly
codegen_flags: <defaults>
</compile_context>

<pallas_src>
import functools

import jax
import jax.numpy as jnp
from jax import lax
from jax.experimental import pallas as pl
from jax.experimental.pallas import tpu as pltpu
from jax.experimental.pallas import tpu_sc as plsc

_NUM_E = 1000000
_D = 32
_BATCH = 16384
_FIELDS = 26
_B = _BATCH * _FIELDS

_NC = 2
_NS = 16
_NW = _NC * _NS
_BPW = _B // _NW

_CHUNK = 128
_GROUP = 4
_ROWS = _CHUNK * _GROUP
_NG = _BPW // _ROWS
_NBUF = 2

assert _BPW % _ROWS == 0 and (_NG - _NBUF) % _NBUF == 0



_PANEL = 32768
_QC = _PANEL // 4
_QCB = _QC.bit_length() - 1
_TGRID = -(-_NUM_E // _PANEL)
_SROWS = _TGRID * _QC


def _tt_body(in0, in1, in2, in3, out_ref):
    out_ref[...] = jnp.concatenate(
        [in0[...].T, in1[...].T, in2[...].T, in3[...].T], axis=1)


_tc_transpose_table = pl.pallas_call(
    _tt_body,
    grid=(_TGRID,),
    in_specs=[
        pl.BlockSpec(
            (_D, _QC),
            (lambda j, c=c: (0, jnp.minimum(4 * j + c, _NUM_E // _QC))))
        for c in range(4)
    ],
    out_specs=pl.BlockSpec((_QC, 128), lambda j: (j, 0)),
    out_shape=jax.ShapeDtypeStruct((_SROWS, 128), jnp.float32),
)



_OBK = 16384


def _ot_body(in_ref, out_ref):
    out_ref[0] = jnp.concatenate(
        [in_ref[:, 32 * u:32 * u + 32].T for u in range(4)], axis=1)


_tc_transpose_out = pl.pallas_call(
    _ot_body,
    grid=(_FIELDS, _BATCH // _OBK),
    in_specs=[pl.BlockSpec((_OBK // 4, 128),
                           lambda f, k: (f * (_BATCH // _OBK) + k, 0))],
    out_specs=pl.BlockSpec((1, _D, _OBK), lambda f, k: (f, 0, k)),
    out_shape=jax.ShapeDtypeStruct((_FIELDS, _D, _BATCH), jnp.float32),
)



def _gather_body(table_hbm, idx_hbm, out_hbm, idx_v, rows_v, gsems, ssems):
    wid = lax.axis_index("s") * _NC + lax.axis_index("c")
    base = wid * _BPW
    pltpu.sync_copy(idx_hbm.at[pl.ds(base, _BPW)], idx_v)

    def fire_gather(g, b):
        for j in range(_GROUP):
            pltpu.async_copy(
                table_hbm.at[idx_v.at[pl.ds(g * _ROWS + j * _CHUNK, _CHUNK)]],
                rows_v.at[b].at[pl.ds(j * _CHUNK, _CHUNK)],
                gsems.at[b])

    def wait_gather(g, b):
        for j in range(_GROUP):
            pltpu.make_async_copy(
                table_hbm.at[idx_v.at[pl.ds(g * _ROWS + j * _CHUNK, _CHUNK)]],
                rows_v.at[b].at[pl.ds(j * _CHUNK, _CHUNK)],
                gsems.at[b]).wait()

    def fire_store(g, b):
        pltpu.async_copy(
            rows_v.at[b], out_hbm.at[pl.ds(base + g * _ROWS, _ROWS)],
            ssems.at[b])

    def wait_store(g, b):
        pltpu.make_async_copy(
            rows_v.at[b], out_hbm.at[pl.ds(base + g * _ROWS, _ROWS)],
            ssems.at[b]).wait()

    for b in range(_NBUF):
        fire_gather(b, b)

    @pl.loop(0, _NG - _NBUF, step=_NBUF)
    def _main(g0):
        for b in range(_NBUF):
            wait_gather(g0 + b, b)
            fire_store(g0 + b, b)
        for b in range(_NBUF):
            wait_store(g0 + b, b)
            fire_gather(g0 + _NBUF + b, b)

    for b in range(_NBUF):
        g = _NG - _NBUF + b
        wait_gather(g, b)
        fire_store(g, b)
    for b in range(_NBUF):
        wait_store(_NG - _NBUF + b, b)


_mesh = plsc.VectorSubcoreMesh(core_axis_name="c", subcore_axis_name="s")

_sc_gather = functools.partial(
    pl.kernel,
    out_type=jax.ShapeDtypeStruct((_B, _D), jnp.float32),
    mesh=_mesh,
    scratch_types=[
        pltpu.VMEM((_BPW,), jnp.int32),
        pltpu.VMEM((_NBUF, _ROWS, _D), jnp.float32),
        pltpu.SemaphoreType.DMA((_NBUF,)),
        pltpu.SemaphoreType.DMA((_NBUF,)),
    ],
    compiler_params=pltpu.CompilerParams(use_tc_tiling_on_sc=False),
)(_gather_body)


def kernel(ents, table):
    t_t = table.T
    scratch = _tc_transpose_table(t_t, t_t, t_t, t_t)
    i = ents.T.reshape(-1).astype(jnp.int32)
    i = (i.reshape(_B // _OBK, 4, _OBK // 4)
          .transpose(0, 2, 1).reshape(-1))
    m = i & (_PANEL - 1)
    idx = (i & ~(_PANEL - 1)) | ((m & (_QC - 1)) << 2) | (m >> _QCB)
    y = _sc_gather(scratch.reshape(_SROWS * 4, _D), idx)
    out3 = _tc_transpose_out(y.reshape(_B // 4, 128))
    return out3.transpose(2, 0, 1)

# --- scband reference (transcript-rebuilt; emitter-appended) ---
"""Pipeline reference for scband-normal-embs-38714835206333 (READ-ONLY COPY).

The authoritative reference and input builder live on the scoring server;
editing this copy changes nothing except your own understanding.
"""

import jax, jax.numpy as jnp
import numpy as np

NUM_ENTITIES = 1000000
EMB_DIM = 32
BATCH = 16384
FIELDS = 26


def setup_inputs(seed: int = 0) -> dict:
    key = jax.random.key(seed)
    k1, k2 = jax.random.split(key)
    ents = jax.random.randint(k1, (BATCH, FIELDS), 0, NUM_ENTITIES, dtype=jnp.int64 if jax.config.jax_enable_x64 else jnp.int32)
    # Embedding table sampled from Normal(mean=0.0, scale=1.0), matching torch Normal(mean, var).sample
    table = jax.random.normal(k2, (NUM_ENTITIES, EMB_DIM), dtype=jnp.float32) * 1.0 + 0.0
    return {"ents": ents, "table": table}


def reference(ents, table):
    # nn.Embedding lookup: gather rows of table by ents indices
    return jnp.take(table, ents, axis=0)

if __name__ == "__main__":
    import jax
    _d = setup_inputs()
    print(jax.jit(kernel)(*tuple(_d.values())))

</pallas_src>

<mosaic_0001>
#map = affine_map<(d0, d1) -> (0, 0)>
#map1 = affine_map<(d0, d1) -> (0)>
module attributes {stable_mosaic.version = 14 : i64} {
  func.func @_gather_body(%arg0: i32, %arg1: i32, %arg2: memref<1015808x32xf32, #tpu.memory_space<hbm>>, %arg3: memref<425984xi32, #tpu.memory_space<hbm>>, %arg4: memref<425984x32xf32, #tpu.memory_space<hbm>>, %arg5: memref<13312xi32, #tpu.memory_space<vmem>>, %arg6: memref<2x512x32xf32, #tpu.memory_space<vmem>>, %arg7: memref<2x!tpu.dma_semaphore, #tpu.memory_space<semaphore_mem>>, %arg8: memref<2x!tpu.dma_semaphore, #tpu.memory_space<semaphore_mem>>) attributes {dimension_semantics = [#tpu.dimension_semantics<core_parallel>, #tpu.dimension_semantics<subcore_parallel>], iteration_bounds = array<i64: 2, 16>, scalar_prefetch = 0 : i64, scratch_operands = 4 : i64, tpu.core_type = #tpu.core_type<sc_vector_subcore>, window_params = [{transform_indices = #map}, {transform_indices = #map1}, {transform_indices = #map}]} {
    %mul3A = arith.constant 2 : i32
    %mul3A_0 = arith.muli %arg1, %mul3A : i32
    %add3A = arith.addi %mul3A_0, %arg0 : i32
    %mul3A_1 = arith.constant 13312 : i32
    %mul3A_2 = arith.muli %add3A, %mul3A_1 : i32
    "tpu.region"() ({
      %run_scoped3A = tpu.sem_alloc : memref<!tpu.dma_semaphore, #tpu.memory_space<semaphore_mem>>
      %dma_start3A_333 = tpu.memref_slice %arg3[%mul3A_2] : memref<425984xi32, #tpu.memory_space<hbm>> -> memref<13312xi32, #tpu.memory_space<hbm>>
      %dma_start3A_334 = tpu.memref_slice %arg3[%mul3A_2] : memref<425984xi32, #tpu.memory_space<hbm>> -> memref<13312xi32, #tpu.memory_space<hbm>>
      tpu.enqueue_dma source(%dma_start3A_334 : memref<13312xi32, #tpu.memory_space<hbm>>) target(%arg5 : memref<13312xi32, #tpu.memory_space<vmem>>) target_semaphore(%run_scoped3A : memref<!tpu.dma_semaphore, #tpu.memory_space<semaphore_mem>>)
      %dma_wait3A_335 = tpu.memref_slice %arg3[%mul3A_2] : memref<425984xi32, #tpu.memory_space<hbm>> -> memref<13312xi32, #tpu.memory_space<hbm>>
      %dma_wait3A_336 = tpu.memref_slice %arg3[%mul3A_2] : memref<425984xi32, #tpu.memory_space<hbm>> -> memref<13312xi32, #tpu.memory_space<hbm>>
      tpu.wait_dma2 semaphore(%run_scoped3A : memref<!tpu.dma_semaphore, #tpu.memory_space<semaphore_mem>>) src(%dma_wait3A_336 : memref<13312xi32, #tpu.memory_space<hbm>>) dst(%arg5 : memref<13312xi32, #tpu.memory_space<vmem>>)
      tpu.yield
    }) : () -> ()
    %dma_start3A = arith.constant 0 : i32
    %dma_start3A_3 = arith.constant 0 : i32
    %dma_start3A_4 = arith.constant 0 : i32
    %dma_start3A_5 = arith.constant 0 : i32
    %dma_start3A_6 = tpu.memref_slice %arg6[%dma_start3A, %dma_start3A_4, %dma_start3A_5] : memref<2x512x32xf32, #tpu.memory_space<vmem>> -> memref<1x512x32xf32, #tpu.memory_space<vmem>>
    %dma_start3A_7 = tpu.memref_squeeze %dma_start3A_6 : memref<1x512x32xf32, #tpu.memory_space<vmem>> -> memref<512x32xf32, #tpu.memory_space<vmem>>
    %dma_start3A_8 = arith.constant 0 : i32
    %dma_start3A_9 = arith.constant 0 : i32
    %dma_start3A_10 = tpu.memref_slice %dma_start3A_7[%dma_start3A_8, %dma_start3A_9] : memref<512x32xf32, #tpu.memory_space<vmem>> -> memref<128x32xf32, #tpu.memory_space<vmem>>
    %dma_start3A_11 = arith.constant 0 : i32
    %dma_start3A_12 = tpu.memref_slice %arg5[%dma_start3A_11] : memref<13312xi32, #tpu.memory_space<vmem>> -> memref<128xi32, #tpu.memory_space<vmem>>
    %dma_start3A_13 = arith.constant 0 : i32
    %dma_start3A_14 = arith.constant 0 : i32
    %dma_start3A_15 = tpu.memref_slice %arg2[%dma_start3A_13, %dma_start3A_14] : memref<1015808x32xf32, #tpu.memory_space<hbm>> -> memref<1015808x32xf32, #tpu.memory_space<hbm>>
    %dma_start3A_16 = tpu.memref_slice %arg7[%dma_start3A_3] : memref<2x!tpu.dma_semaphore, #tpu.memory_space<semaphore_mem>> -> memref<1x!tpu.dma_semaphore, #tpu.memory_space<semaphore_mem>>
    %dma_start3A_17 = tpu.memref_squeeze %dma_start3A_16 : memref<1x!tpu.dma_semaphore, #tpu.memory_space<semaphore_mem>> -> memref<!tpu.dma_semaphore, #tpu.memory_space<semaphore_mem>>
    tpu.enqueue_indirect_dma source(%dma_start3A_15 : memref<1015808x32xf32, #tpu.memory_space<hbm>>) target(%dma_start3A_10 : memref<128x32xf32, #tpu.memory_space<vmem>>) offsets(%dma_start3A_12 : memref<128xi32, #tpu.memory_space<vmem>>) semaphore(%dma_start3A_17 : memref<!tpu.dma_semaphore, #tpu.memory_space<semaphore_mem>>)
    %dma_start3A_18 = arith.constant 0 : i32
    %dma_start3A_19 = arith.constant 0 : i32
    %dma_start3A_20 = arith.constant 0 : i32
    %dma_start3A_21 = arith.constant 0 : i32
    %dma_start3A_22 = tpu.memref_slice %arg6[%dma_start3A_18, %dma_start3A_20, %dma_start3A_21] : memref<2x512x32xf32, #tpu.memory_space<vmem>> -> memref<1x512x32xf32, #tpu.memory_space<vmem>>
    %dma_start3A_23 = tpu.memref_squeeze %dma_start3A_22 : memref<1x512x32xf32, #tpu.memory_space<vmem>> -> memref<512x32xf32, #tpu.memory_space<vmem>>
    %dma_start3A_24 = arith.constant 128 : i32
    %dma_start3A_25 = arith.constant 0 : i32
    %dma_start3A_26 = tpu.memref_slice %dma_start3A_23[%dma_start3A_24, %dma_start3A_25] : memref<512x32xf32, #tpu.memory_space<vmem>> -> memref<128x32xf32, #tpu.memory_space<vmem>>
    %dma_start3A_27 = arith.constant 128 : i32
    %dma_start3A_28 = tpu.memref_slice %arg5[%dma_start3A_27] : memref<13312xi32, #tpu.memory_space<vmem>> -> memref<128xi32, #tpu.memory_space<vmem>>
    %dma_start3A_29 = arith.constant 0 : i32
    %dma_start3A_30 = arith.constant 0 : i32
    %dma_start3A_31 = tpu.memref_slice %arg2[%dma_start3A_29, %dma_start3A_30] : memref<1015808x32xf32, #tpu.memory_space<hbm>> -> memref<1015808x32xf32, #tpu.memory_space<hbm>>
    %dma_start3A_32 = tpu.memref_slice %arg7[%dma_start3A_19] : memref<2x!tpu.dma_semaphore, #tpu.memory_space<semaphore_mem>> -> memref<1x!tpu.dma_semaphore, #tpu.memory_space<semaphore_mem>>
    %dma_start3A_33 = tpu.memref_squeeze %dma_start3A_32 : memref<1x!tpu.dma_semaphore, #tpu.memory_space<semaphore_mem>> -> memref<!tpu.dma_semaphore, #tpu.memory_space<semaphore_mem>>
    tpu.enqueue_indirect_dma source(%dma_start3A_31 : memref<1015808x32xf32, #tpu.memory_space<hbm>>) target(%dma_start3A_26 : memref<128x32xf32, #tpu.memory_space<vmem>>) offsets(%dma_start3A_28 : memref<128xi32, #tpu.memory_space<vmem>>) semaphore(%dma_start3A_33 : memref<!tpu.dma_semaphore, #tpu.memory_space<semaphore_mem>>)
    %dma_start3A_34 = arith.constant 0 : i32
    %dma_start3A_35 = arith.constant 0 : i32
    %dma_start3A_36 = arith.constant 0 : i32
    %dma_start3A_37 = arith.constant 0 : i32
    %dma_start3A_38 = tpu.memref_slice %arg6[%dma_start3A_34, %dma_start3A_36, %dma_start3A_37] : memref<2x512x32xf32, #tpu.memory_space<vmem>> -> memref<1x512x32xf32, #tpu.memory_space<vmem>>
    %dma_start3A_39 = tpu.memref_squeeze %dma_start3A_38 : memref<1x512x32xf32, #tpu.memory_space<vmem>> -> memref<512x32xf32, #tpu.memory_space<vmem>>
    %dma_start3A_40 = arith.constant 256 : i32
    %dma_start3A_41 = arith.constant 0 : i32
    %dma_start3A_42 = tpu.memref_slice %dma_start3A_39[%dma_start3A_40, %dma_start3A_41] : memref<512x32xf32, #tpu.memory_space<vmem>> -> memref<128x32xf32, #tpu.memory_space<vmem>>
    %dma_start3A_43 = arith.constant 256 : i32
    %dma_start3A_44 = tpu.memref_slice %arg5[%dma_start3A_43] : memref<13312xi32, #tpu.memory_space<vmem>> -> memref<128xi32, #tpu.memory_space<vmem>>
    %dma_start3A_45 = arith.constant 0 : i32
    %dma_start3A_46 = arith.constant 0 : i32
    %dma_start3A_47 = tpu.memref_slice %arg2[%dma_start3A_45, %dma_start3A_46] : memref<1015808x32xf32, #tpu.memory_space<hbm>> -> memref<1015808x32xf32, #tpu.memory_space<hbm>>
    %dma_start3A_48 = tpu.memref_slice %arg7[%dma_start3A_35] : memref<2x!tpu.dma_semaphore, #tpu.memory_space<semaphore_mem>> -> memref<1x!tpu.dma_semaphore, #tpu.memory_space<semaphore_mem>>
    %dma_start3A_49 = tpu.memref_squeeze %dma_start3A_48 : memref<1x!tpu.dma_semaphore, #tpu.memory_space<semaphore_mem>> -> memref<!tpu.dma_semaphore, #tpu.memory_space<semaphore_mem>>
    tpu.enqueue_indirect_dma source(%dma_start3A_47 : memref<1015808x32xf32, #tpu.memory_space<hbm>>) target(%dma_start3A_42 : memref<128x32xf32, #tpu.memory_space<vmem>>) offsets(%dma_start3A_44 : memref<128xi32, #tpu.memory_space<vmem>>) semaphore(%dma_start3A_49 : memref<!tpu.dma_semaphore, #tpu.memory_space<semaphore_mem>>)
    %dma_start3A_50 = arith.constant 0 : i32
    %dma_start3A_51 = arith.constant 0 : i32
    %dma_start3A_52 = arith.constant 0 : i32
    %dma_start3A_53 = arith.constant 0 : i32
    %dma_start3A_54 = tpu.memref_slice %arg6[%dma_start3A_50, %dma_start3A_52, %dma_start3A_53] : memref<2x512x32xf32, #tpu.memory_space<vmem>> -> memref<1x512x32xf32, #tpu.memory_space<vmem>>
    %dma_start3A_55 = tpu.memref_squeeze %dma_start3A_54 : memref<1x512x32xf32, #tpu.memory_space<vmem>> -> memref<512x32xf32, #tpu.memory_space<vmem>>
    %dma_start3A_56 = arith.constant 384 : i32
    %dma_start3A_57 = arith.constant 0 : i32
    %dma_start3A_58 = tpu.memref_slice %dma_start3A_55[%dma_start3A_56, %dma_start3A_57] : memref<512x32xf32, #tpu.memory_space<vmem>> -> memref<128x32xf32, #tpu.memory_space<vmem>>
    %dma_start3A_59 = arith.constant 384 : i32
    %dma_start3A_60 = tpu.memref_slice %arg5[%dma_start3A_59] : memref<13312xi32, #tpu.memory_space<vmem>> -> memref<128xi32, #tpu.memory_space<vmem>>
    %dma_start3A_61 = arith.constant 0 : i32
    %dma_start3A_62 = arith.constant 0 : i32
    %dma_start3A_63 = tpu.memref_slice %arg2[%dma_start3A_61, %dma_start3A_62] : memref<1015808x32xf32, #tpu.memory_space<hbm>> -> memref<1015808x32xf32, #tpu.memory_space<hbm>>
    %dma_start3A_64 = tpu.memref_slice %arg7[%dma_start3A_51] : memref<2x!tpu.dma_semaphore, #tpu.memory_space<semaphore_mem>> -> memref<1x!tpu.dma_semaphore, #tpu.memory_space<semaphore_mem>>
    %dma_start3A_65 = tpu.memref_squeeze %dma_start3A_64 : memref<1x!tpu.dma_semaphore, #tpu.memory_space<semaphore_mem>> -> memref<!tpu.dma_semaphore, #tpu.memory_space<semaphore_mem>>
    tpu.enqueue_indirect_dma source(%dma_start3A_63 : memref<1015808x32xf32, #tpu.memory_space<hbm>>) target(%dma_start3A_58 : memref<128x32xf32, #tpu.memory_space<vmem>>) offsets(%dma_start3A_60 : memref<128xi32, #tpu.memory_space<vmem>>) semaphore(%dma_start3A_65 : memref<!tpu.dma_semaphore, #tpu.memory_space<semaphore_mem>>)
    %dma_start3A_66 = arith.constant 1 : i32
    %dma_start3A_67 = arith.constant 1 : i32
    %dma_start3A_68 = arith.constant 0 : i32
    %dma_start3A_69 = arith.constant 0 : i32
    %dma_start3A_70 = tpu.memref_slice %arg6[%dma_start3A_66, %dma_start3A_68, %dma_start3A_69] : memref<2x512x32xf32, #tpu.memory_space<vmem>> -> memref<1x512x32xf32, #tpu.memory_space<vmem>>
    %dma_start3A_71 = tpu.memref_squeeze %dma_start3A_70 : memref<1x512x32xf32, #tpu.memory_space<vmem>> -> memref<512x32xf32, #tpu.memory_space<vmem>>
    %dma_start3A_72 = arith.constant 0 : i32
    %dma_start3A_73 = arith.constant 0 : i32
    %dma_start3A_74 = tpu.memref_slice %dma_start3A_71[%dma_start3A_72, %dma_start3A_73] : memref<512x32xf32, #tpu.memory_space<vmem>> -> memref<128x32xf32, #tpu.memory_space<vmem>>
    %dma_start3A_75 = arith.constant 512 : i32
    %dma_start3A_76 = tpu.memref_slice %arg5[%dma_start3A_75] : memref<13312xi32, #tpu.memory_space<vmem>> -> memref<128xi32, #tpu.memory_space<vmem>>
    %dma_start3A_77 = arith.constant 0 : i32
    %dma_start3A_78 = arith.constant 0 : i32
    %dma_start3A_79 = tpu.memref_slice %arg2[%dma_start3A_77, %dma_start3A_78] : memref<1015808x32xf32, #tpu.memory_space<hbm>> -> memref<1015808x32xf32, #tpu.memory_space<hbm>>
    %dma_start3A_80 = tpu.memref_slice %arg7[%dma_start3A_67] : memref<2x!tpu.dma_semaphore, #tpu.memory_space<semaphore_mem>> -> memref<1x!tpu.dma_semaphore, #tpu.memory_space<semaphore_mem>>
    %dma_start3A_81 = tpu.memref_squeeze %dma_start3A_80 : memref<1x!tpu.dma_semaphore, #tpu.memory_space<semaphore_mem>> -> memref<!tpu.dma_semaphore, #tpu.memory_space<semaphore_mem>>
    tpu.enqueue_indirect_dma source(%dma_start3A_79 : memref<1015808x32xf32, #tpu.memory_space<hbm>>) target(%dma_start3A_74 : memref<128x32xf32, #tpu.memory_space<vmem>>) offsets(%dma_start3A_76 : memref<128xi32, #tpu.memory_space<vmem>>) semaphore(%dma_start3A_81 : memref<!tpu.dma_semaphore, #tpu.memory_space<semaphore_mem>>)
    %dma_start3A_82 = arith.constant 1 : i32
    %dma_start3A_83 = arith.constant 1 : i32
    %dma_start3A_84 = arith.constant 0 : i32
    %dma_start3A_85 = arith.constant 0 : i32
    %dma_start3A_86 = tpu.memref_slice %arg6[%dma_start3A_82, %dma_start3A_84, %dma_start3A_85] : memref<2x512x32xf32, #tpu.memory_space<vmem>> -> memref<1x512x32xf32, #tpu.memory_space<vmem>>
    %dma_start3A_87 = tpu.memref_squeeze %dma_start3A_86 : memref<1x512x32xf32, #tpu.memory_space<vmem>> -> memref<512x32xf32, #tpu.memory_space<vmem>>
    %dma_start3A_88 = arith.constant 128 : i32
    %dma_start3A_89 = arith.constant 0 : i32
    %dma_start3A_90 = tpu.memref_slice %dma_start3A_87[%dma_start3A_88, %dma_start3A_89] : memref<512x32xf32, #tpu.memory_space<vmem>> -> memref<128x32xf32, #tpu.memory_space<vmem>>
    %dma_start3A_91 = arith.constant 640 : i32
    %dma_start3A_92 = tpu.memref_slice %arg5[%dma_start3A_91] : memref<13312xi32, #tpu.memory_space<vmem>> -> memref<128xi32, #tpu.memory_space<vmem>>
    %dma_start3A_93 = arith.constant 0 : i32
    %dma_start3A_94 = arith.constant 0 : i32
    %dma_start3A_95 = tpu.memref_slice %arg2[%dma_start3A_93, %dma_start3A_94] : memref<1015808x32xf32, #tpu.memory_space<hbm>> -> memref<1015808x32xf32, #tpu.memory_space<hbm>>
    %dma_start3A_96 = tpu.memref_slice %arg7[%dma_start3A_83] : memref<2x!tpu.dma_semaphore, #tpu.memory_space<semaphore_mem>> -> memref<1x!tpu.dma_semaphore, #tpu.memory_space<semaphore_mem>>
    %dma_start3A_97 = tpu.memref_squeeze %dma_start3A_96 : memref<1x!tpu.dma_semaphore, #tpu.memory_space<semaphore_mem>> -> memref<!tpu.dma_semaphore, #tpu.memory_space<semaphore_mem>>
    tpu.enqueue_indirect_dma source(%dma_start3A_95 : memref<1015808x32xf32, #tpu.memory_space<hbm>>) target(%dma_start3A_90 : memref<128x32xf32, #tpu.memory_space<vmem>>) offsets(%dma_start3A_92 : memref<128xi32, #tpu.memory_space<vmem>>) semaphore(%dma_start3A_97 : memref<!tpu.dma_semaphore, #tpu.memory_space<semaphore_mem>>)
    %dma_start3A_98 = arith.constant 1 : i32
    %dma_start3A_99 = arith.constant 1 : i32
    %dma_start3A_100 = arith.constant 0 : i32
    %dma_start3A_101 = arith.constant 0 : i32
    %dma_start3A_102 = tpu.memref_slice %arg6[%dma_start3A_98, %dma_start3A_100, %dma_start3A_101] : memref<2x512x32xf32, #tpu.memory_space<vmem>> -> memref<1x512x32xf32, #tpu.memory_space<vmem>>
    %dma_start3A_103 = tpu.memref_squeeze %dma_start3A_102 : memref<1x512x32xf32, #tpu.memory_space<vmem>> -> memref<512x32xf32, #tpu.memory_space<vmem>>
    %dma_start3A_104 = arith.constant 256 : i32
    %dma_start3A_105 = arith.constant 0 : i32
    %dma_start3A_106 = tpu.memref_slice %dma_start3A_103[%dma_start3A_104, %dma_start3A_105] : memref<512x32xf32, #tpu.memory_space<vmem>> -> memref<128x32xf32, #tpu.memory_space<vmem>>
    %dma_start3A_107 = arith.constant 768 : i32
    %dma_start3A_108 = tpu.memref_slice %arg5[%dma_start3A_107] : memref<13312xi32, #tpu.memory_space<vmem>> -> memref<128xi32, #tpu.memory_space<vmem>>
    %dma_start3A_109 = arith.constant 0 : i32
    %dma_start3A_110 = arith.constant 0 : i32
    %dma_start3A_111 = tpu.memref_slice %arg2[%dma_start3A_109, %dma_start3A_110] : memref<1015808x32xf32, #tpu.memory_space<hbm>> -> memref<1015808x32xf32, #tpu.memory_space<hbm>>
    %dma_start3A_112 = tpu.memref_slice %arg7[%dma_start3A_99] : memref<2x!tpu.dma_semaphore, #tpu.memory_space<semaphore_mem>> -> memref<1x!tpu.dma_semaphore, #tpu.memory_space<semaphore_mem>>
    %dma_start3A_113 = tpu.memref_squeeze %dma_start3A_112 : memref<1x!tpu.dma_semaphore, #tpu.memory_space<semaphore_mem>> -> memref<!tpu.dma_semaphore, #tpu.memory_space<semaphore_mem>>
    tpu.enqueue_indirect_dma source(%dma_start3A_111 : memref<1015808x32xf32, #tpu.memory_space<hbm>>) target(%dma_start3A_106 : memref<128x32xf32, #tpu.memory_space<vmem>>) offsets(%dma_start3A_108 : memref<128xi32, #tpu.memory_space<vmem>>) semaphore(%dma_start3A_113 : memref<!tpu.dma_semaphore, #tpu.memory_space<semaphore_mem>>)
    %dma_start3A_114 = arith.constant 1 : i32
    %dma_start3A_115 = arith.constant 1 : i32
    %dma_start3A_116 = arith.constant 0 : i32
    %dma_start3A_117 = arith.constant 0 : i32
    %dma_start3A_118 = tpu.memref_slice %arg6[%dma_start3A_114, %dma_start3A_116, %dma_start3A_117] : memref<2x512x32xf32, #tpu.memory_space<vmem>> -> memref<1x512x32xf32, #tpu.memory_space<vmem>>
    %dma_start3A_119 = tpu.memref_squeeze %dma_start3A_118 : memref<1x512x32xf32, #tpu.memory_space<vmem>> -> memref<512x32xf32, #tpu.memory_space<vmem>>
    %dma_start3A_120 = arith.constant 384 : i32
    %dma_start3A_121 = arith.constant 0 : i32
    %dma_start3A_122 = tpu.memref_slice %dma_start3A_119[%dma_start3A_120, %dma_start3A_121] : memref<512x32xf32, #tpu.memory_space<vmem>> -> memref<128x32xf32, #tpu.memory_space<vmem>>
    %dma_start3A_123 = arith.constant 896 : i32
    %dma_start3A_124 = tpu.memref_slice %arg5[%dma_start3A_123] : memref<13312xi32, #tpu.memory_space<vmem>> -> memref<128xi32, #tpu.memory_space<vmem>>
    %dma_start3A_125 = arith.constant 0 : i32
    %dma_start3A_126 = arith.constant 0 : i32
    %dma_start3A_127 = tpu.memref_slice %arg2[%dma_start3A_125, %dma_start3A_126] : memref<1015808x32xf32, #tpu.memory_space<hbm>> -> memref<1015808x32xf32, #tpu.memory_space<hbm>>
    %dma_start3A_128 = tpu.memref_slice %arg7[%dma_start3A_115] : memref<2x!tpu.dma_semaphore, #tpu.memory_space<semaphore_mem>> -> memref<1x!tpu.dma_semaphore, #tpu.memory_space<semaphore_mem>>
    %dma_start3A_129 = tpu.memref_squeeze %dma_start3A_128 : memref<1x!tpu.dma_semaphore, #tpu.memory_space<semaphore_mem>> -> memref<!tpu.dma_semaphore, #tpu.memory_space<semaphore_mem>>
    tpu.enqueue_indirect_dma source(%dma_start3A_127 : memref<1015808x32xf32, #tpu.memory_space<hbm>>) target(%dma_start3A_122 : memref<128x32xf32, #tpu.memory_space<vmem>>) offsets(%dma_start3A_124 : memref<128xi32, #tpu.memory_space<vmem>>) semaphore(%dma_start3A_129 : memref<!tpu.dma_semaphore, #tpu.memory_space<semaphore_mem>>)
    %scan3A = arith.constant 0 : i32
    %scan3A_130 = arith.constant 12 : i32
    %scan3A_131 = arith.addi %scan3A, %scan3A_130 : i32
    %scan3A_132 = arith.constant 1 : i32
    scf.for %scan3A_333 = %scan3A to %scan3A_131 step %scan3A_132  : i32 {
      %mul3A_334 = arith.constant 2 : i32
      %mul3A_335 = arith.muli %scan3A_333, %mul3A_334 : i32
      %add3A_336 = arith.constant 0 : i32
      %add3A_337 = arith.addi %add3A_336, %mul3A_335 : i32
      %add3A_338 = arith.constant 0 : i32
      %add3A_339 = arith.addi %add3A_337, %add3A_338 : i32
      %mul3A_340 = arith.constant 512 : i32
      %mul3A_341 = arith.muli %add3A_339, %mul3A_340 : i32
      %add3A_342 = arith.constant 0 : i32
      %add3A_343 = arith.addi %mul3A_341, %add3A_342 : i32
      %dma_wait3A_344 = arith.constant 0 : i32
      %dma_wait3A_345 = arith.constant 0 : i32
      %dma_wait3A_346 = arith.constant 0 : i32
      %dma_wait3A_347 = arith.constant 0 : i32
      %dma_wait3A_348 = tpu.memref_slice %arg6[%dma_wait3A_344, %dma_wait3A_346, %dma_wait3A_347] : memref<2x512x32xf32, #tpu.memory_space<vmem>> -> memref<1x512x32xf32, #tpu.memory_space<vmem>>
      %dma_wait3A_349 = tpu.memref_squeeze %dma_wait3A_348 : memref<1x512x32xf32, #tpu.memory_space<vmem>> -> memref<512x32xf32, #tpu.memory_space<vmem>>
      %dma_wait3A_350 = arith.constant 0 : i32
      %dma_wait3A_351 = arith.constant 0 : i32
      %dma_wait3A_352 = tpu.memref_slice %dma_wait3A_349[%dma_wait3A_350, %dma_wait3A_351] : memref<512x32xf32, #tpu.memory_space<vmem>> -> memref<128x32xf32, #tpu.memory_space<vmem>>
      %dma_wait3A_353 = tpu.memref_slice %arg5[%add3A_343] : memref<13312xi32, #tpu.memory_space<vmem>> -> memref<128xi32, #tpu.memory_space<vmem>>
      %dma_wait3A_354 = arith.constant 0 : i32
      %dma_wait3A_355 = arith.constant 0 : i32
      %dma_wait3A_356 = tpu.memref_slice %arg2[%dma_wait3A_354, %dma_wait3A_355] : memref<1015808x32xf32, #tpu.memory_space<hbm>> -> memref<1015808x32xf32, #tpu.memory_space<hbm>>
      %dma_wait3A_357 = tpu.memref_slice %arg7[%dma_wait3A_345] : memref<2x!tpu.dma_semaphore, #tpu.memory_space<semaphore_mem>> -> memref<1x!tpu.dma_semaphore, #tpu.memory_space<semaphore_mem>>
      %dma_wait3A_358 = tpu.memref_squeeze %dma_wait3A_357 : memref<1x!tpu.dma_semaphore, #tpu.memory_space<semaphore_mem>> -> memref<!tpu.dma_semaphore, #tpu.memory_space<semaphore_mem>>
      tpu.wait_indirect_dma semaphore(%dma_wait3A_358 : memref<!tpu.dma_semaphore, #tpu.memory_space<semaphore_mem>>) src(%dma_wait3A_356 : memref<1015808x32xf32, #tpu.memory_space<hbm>>) dst(%dma_wait3A_352 : memref<128x32xf32, #tpu.memory_space<vmem>>)
      %mul3A_359 = arith.constant 512 : i32
      %mul3A_360 = arith.muli %add3A_339, %mul3A_359 : i32
      %add3A_361 = arith.constant 128 : i32
      %add3A_362 = arith.addi %mul3A_360, %add3A_361 : i32
      %dma_wait3A_363 = arith.constant 0 : i32
      %dma_wait3A_364 = arith.constant 0 : i32
      %dma_wait3A_365 = arith.constant 0 : i32
      %dma_wait3A_366 = arith.constant 0 : i32
      %dma_wait3A_367 = tpu.memref_slice %arg6[%dma_wait3A_363, %dma_wait3A_365, %dma_wait3A_366] : memref<2x512x32xf32, #tpu.memory_space<vmem>> -> memref<1x512x32xf32, #tpu.memory_space<vmem>>
      %dma_wait3A_368 = tpu.memref_squeeze %dma_wait3A_367 : memref<1x512x32xf32, #tpu.memory_space<vmem>> -> memref<512x32xf32, #tpu.memory_space<vmem>>
      %dma_wait3A_369 = arith.constant 128 : i32
      %dma_wait3A_370 = arith.constant 0 : i32
      %dma_wait3A_371 = tpu.memref_slice %dma_wait3A_368[%dma_wait3A_369, %dma_wait3A_370] : memref<512x32xf32, #tpu.memory_space<vmem>> -> memref<128x32xf32, #tpu.memory_space<vmem>>
      %dma_wait3A_372 = tpu.memref_slice %arg5[%add3A_362] : memref<13312xi32, #tpu.memory_space<vmem>> -> memref<128xi32, #tpu.memory_space<vmem>>
      %dma_wait3A_373 = arith.constant 0 : i32
      %dma_wait3A_374 = arith.constant 0 : i32
      %dma_wait3A_375 = tpu.memref_slice %arg2[%dma_wait3A_373, %dma_wait3A_374] : memref<1015808x32xf32, #tpu.memory_space<hbm>> -> memref<1015808x32xf32, #tpu.memory_space<hbm>>
      %dma_wait3A_376 = tpu.memref_slice %arg7[%dma_wait3A_364] : memref<2x!tpu.dma_semaphore, #tpu.memory_space<semaphore_mem>> -> memref<1x!tpu.dma_semaphore, #tpu.memory_space<semaphore_mem>>
      %dma_wait3A_377 = tpu.memref_squeeze %dma_wait3A_376 : memref<1x!tpu.dma_semaphore, #tpu.memory_space<semaphore_mem>> -> memref<!tpu.dma_semaphore, #tpu.memory_space<semaphore_mem>>
      tpu.wait_indirect_dma semaphore(%dma_wait3A_377 : memref<!tpu.dma_semaphore, #tpu.memory_space<semaphore_mem>>) src(%dma_wait3A_375 : memref<1015808x32xf32, #tpu.memory_space<hbm>>) dst(%dma_wait3A_371 : memref<128x32xf32, #tpu.memory_space<vmem>>)
      %mul3A_378 = arith.constant 512 : i32
      %mul3A_379 = arith.muli %add3A_339, %mul3A_378 : i32
      %add3A_380 = arith.constant 256 : i32
      %add3A_381 = arith.addi %mul3A_379, %add3A_380 : i32
      %dma_wait3A_382 = arith.constant 0 : i32
      %dma_wait3A_383 = arith.constant 0 : i32
      %dma_wait3A_384 = arith.constant 0 : i32
      %dma_wait3A_385 = arith.constant 0 : i32
      %dma_wait3A_386 = tpu.memref_slice %arg6[%dma_wait3A_382, %dma_wait3A_384, %dma_wait3A_385] : memref<2x512x32xf32, #tpu.memory_space<vmem>> -> memref<1x512x32xf32, #tpu.memory_space<vmem>>
      %dma_wait3A_387 = tpu.memref_squeeze %dma_wait3A_386 : memref<1x512x32xf32, #tpu.memory_space<vmem>> -> memref<512x32xf32, #tpu.memory_space<vmem>>
      %dma_wait3A_388 = arith.constant 256 : i32
      %dma_wait3A_389 = arith.constant 0 : i32
      %dma_wait3A_390 = tpu.memref_slice %dma_wait3A_387[%dma_wait3A_388, %dma_wait3A_389] : memref<512x32xf32, #tpu.memory_space<vmem>> -> memref<128x32xf32, #tpu.memory_space<vmem>>
      %dma_wait3A_391 = tpu.memref_slice %arg5[%add3A_381] : memref<13312xi32, #tpu.memory_space<vmem>> -> memref<128xi32, #tpu.memory_space<vmem>>
      %dma_wait3A_392 = arith.constant 0 : i32
      %dma_wait3A_393 = arith.constant 0 : i32
      %dma_wait3A_394 = tpu.memref_slice %arg2[%dma_wait3A_392, %dma_wait3A_393] : memref<1015808x32xf32, #tpu.memory_space<hbm>> -> memref<1015808x32xf32, #tpu.memory_space<hbm>>
      %dma_wait3A_395 = tpu.memref_slice %arg7[%dma_wait3A_383] : memref<2x!tpu.dma_semaphore, #tpu.memory_space<semaphore_mem>> -> memref<1x!tpu.dma_semaphore, #tpu.memory_space<semaphore_mem>>
      %dma_wait3A_396 = tpu.memref_squeeze %dma_wait3A_395 : memref<1x!tpu.dma_semaphore, #tpu.memory_space<semaphore_mem>> -> memref<!tpu.dma_semaphore, #tpu.memory_space<semaphore_mem>>
      tpu.wait_indirect_dma semaphore(%dma_wait3A_396 : memref<!tpu.dma_semaphore, #tpu.memory_space<semaphore_mem>>) src(%dma_wait3A_394 : memref<1015808x32xf32, #tpu.memory_space<hbm>>) dst(%dma_wait3A_390 : memref<128x32xf32, #tpu.memory_space<vmem>>)
      %mul3A_397 = arith.constant 512 : i32
      %mul3A_398 = arith.muli %add3A_339, %mul3A_397 : i32
      %add3A_399 = arith.constant 384 : i32
      %add3A_400 = arith.addi %mul3A_398, %add3A_399 : i32
      %dma_wait3A_401 = arith.constant 0 : i32
      %dma_wait3A_402 = arith.constant 0 : i32
      %dma_wait3A_403 = arith.constant 0 : i32
      %dma_wait3A_404 = arith.constant 0 : i32
      %dma_wait3A_405 = tpu.memref_slice %arg6[%dma_wait3A_401, %dma_wait3A_403, %dma_wait3A_404] : memref<2x512x32xf32, #tpu.memory_space<vmem>> -> memref<1x512x32xf32, #tpu.memory_space<vmem>>
      %dma_wait3A_406 = tpu.memref_squeeze %dma_wait3A_405 : memref<1x512x32xf32, #tpu.memory_space<vmem>> -> memref<512x32xf32, #tpu.memory_space<vmem>>
      %dma_wait3A_407 = arith.constant 384 : i32
      %dma_wait3A_408 = arith.constant 0 : i32
      %dma_wait3A_409 = tpu.memref_slice %dma_wait3A_406[%dma_wait3A_407, %dma_wait3A_408] : memref<512x32xf32, #tpu.memory_space<vmem>> -> memref<128x32xf32, #tpu.memory_space<vmem>>
      %dma_wait3A_410 = tpu.memref_slice %arg5[%add3A_400] : memref<13312xi32, #tpu.memory_space<vmem>> -> memref<128xi32, #tpu.memory_space<vmem>>
      %dma_wait3A_411 = arith.constant 0 : i32
      %dma_wait3A_412 = arith.constant 0 : i32
      %dma_wait3A_413 = tpu.memref_slice %arg2[%dma_wait3A_411, %dma_wait3A_412] : memref<1015808x32xf32, #tpu.memory_space<hbm>> -> memref<1015808x32xf32, #tpu.memory_space<hbm>>
      %dma_wait3A_414 = tpu.memref_slice %arg7[%dma_wait3A_402] : memref<2x!tpu.dma_semaphore, #tpu.memory_space<semaphore_mem>> -> memref<1x!tpu.dma_semaphore, #tpu.memory_space<semaphore_mem>>
      %dma_wait3A_415 = tpu.memref_squeeze %dma_wait3A_414 : memref<1x!tpu.dma_semaphore, #tpu.memory_space<semaphore_mem>> -> memref<!tpu.dma_semaphore, #tpu.memory_space<semaphore_mem>>
      tpu.wait_indirect_dma semaphore(%dma_wait3A_415 : memref<!tpu.dma_semaphore, #tpu.memory_space<semaphore_mem>>) src(%dma_wait3A_413 : memref<1015808x32xf32, #tpu.memory_space<hbm>>) dst(%dma_wait3A_409 : memref<128x32xf32, #tpu.memory_space<vmem>>)
      %add3A_416 = arith.constant 0 : i32
      %add3A_417 = arith.addi %add3A_337, %add3A_416 : i32
      %mul3A_418 = arith.constant 512 : i32
      %mul3A_419 = arith.muli %add3A_417, %mul3A_418 : i32
      %add3A_420 = arith.addi %mul3A_2, %mul3A_419 : i32
      %dma_start3A_421 = arith.constant 0 : i32
      %dma_start3A_422 = arith.constant 0 : i32
      %dma_start3A_423 = arith.constant 0 : i32
      %dma_start3A_424 = arith.constant 0 : i32
      %dma_start3A_425 = tpu.memref_slice %arg6[%dma_start3A_421, %dma_start3A_423, %dma_start3A_424] : memref<2x512x32xf32, #tpu.memory_space<vmem>> -> memref<1x512x32xf32, #tpu.memory_space<vmem>>
      %dma_start3A_426 = tpu.memref_squeeze %dma_start3A_425 : memref<1x512x32xf32, #tpu.memory_space<vmem>> -> memref<512x32xf32, #tpu.memory_space<vmem>>
      %dma_start3A_427 = arith.constant 0 : i32
      %dma_start3A_428 = tpu.memref_slice %arg4[%add3A_420, %dma_start3A_427] : memref<425984x32xf32, #tpu.memory_space<hbm>> -> memref<512x32xf32, #tpu.memory_space<hbm>>
      %dma_start3A_429 = tpu.memref_slice %arg8[%dma_start3A_422] : memref<2x!tpu.dma_semaphore, #tpu.memory_space<semaphore_mem>> -> memref<1x!tpu.dma_semaphore, #tpu.memory_space<semaphore_mem>>
      %dma_start3A_430 = tpu.memref_squeeze %dma_start3A_429 : memref<1x!tpu.dma_semaphore, #tpu.memory_space<semaphore_mem>> -> memref<!tpu.dma_semaphore, #tpu.memory_space<semaphore_mem>>
      %dma_start3A_431 = arith.constant 0 : i32
      %dma_start3A_432 = tpu.memref_slice %arg4[%add3A_420, %dma_start3A_431] : memref<425984x32xf32, #tpu.memory_space<hbm>> -> memref<512x32xf32, #tpu.memory_space<hbm>>
      %dma_start3A_433 = arith.constant 0 : i32
      %dma_start3A_434 = arith.constant 0 : i32
      %dma_start3A_435 = tpu.memref_slice %arg6[%dma_start3A_421, %dma_start3A_433, %dma_start3A_434] : memref<2x512x32xf32, #tpu.memory_space<vmem>> -> memref<1x512x32xf32, #tpu.memory_space<vmem>>
      %dma_start3A_436 = tpu.memref_squeeze %dma_start3A_435 : memref<1x512x32xf32, #tpu.memory_space<vmem>> -> memref<512x32xf32, #tpu.memory_space<vmem>>
      tpu.enqueue_dma source(%dma_start3A_436 : memref<512x32xf32, #tpu.memory_space<vmem>>) target(%dma_start3A_432 : memref<512x32xf32, #tpu.memory_space<hbm>>) target_semaphore(%dma_start3A_430 : memref<!tpu.dma_semaphore, #tpu.memory_space<semaphore_mem>>)
      %add3A_437 = arith.constant 1 : i32
      %add3A_438 = arith.addi %add3A_337, %add3A_437 : i32
      %mul3A_439 = arith.constant 512 : i32
      %mul3A_440 = arith.muli %add3A_438, %mul3A_439 : i32
      %add3A_441 = arith.constant 0 : i32
      %add3A_442 = arith.addi %mul3A_440, %add3A_441 : i32
      %dma_wait3A_443 = arith.constant 1 : i32
      %dma_wait3A_444 = arith.constant 1 : i32
      %dma_wait3A_445 = arith.constant 0 : i32
      %dma_wait3A_446 = arith.constant 0 : i32
      %dma_wait3A_447 = tpu.memref_slice %arg6[%dma_wait3A_443, %dma_wait3A_445, %dma_wait3A_446] : memref<2x512x32xf32, #tpu.memory_space<vmem>> -> memref<1x512x32xf32, #tpu.memory_space<vmem>>
      %dma_wait3A_448 = tpu.memref_squeeze %dma_wait3A_447 : memref<1x512x32xf32, #tpu.memory_space<vmem>> -> memref<512x32xf32, #tpu.memory_space<vmem>>
      %dma_wait3A_449 = arith.constant 0 : i32
      %dma_wait3A_450 = arith.constant 0 : i32
      %dma_wait3A_451 = tpu.memref_slice %dma_wait3A_448[%dma_wait3A_449, %dma_wait3A_450] : memref<512x32xf32, #tpu.memory_space<vmem>> -> memref<128x32xf32, #tpu.memory_space<vmem>>
      %dma_wait3A_452 = tpu.memref_slice %arg5[%add3A_442] : memref<13312xi32, #tpu.memory_space<vmem>> -> memref<128xi32, #tpu.memory_space<vmem>>
      %dma_wait3A_453 = arith.constant 0 : i32
      %dma_wait3A_454 = arith.constant 0 : i32
      %dma_wait3A_455 = tpu.memref_slice %arg2[%dma_wait3A_453, %dma_wait3A_454] : memref<1015808x32xf32, #tpu.memory_space<hbm>> -> memref<1015808x32xf32, #tpu.memory_space<hbm>>
      %dma_wait3A_456 = tpu.memref_slice %arg7[%dma_wait3A_444] : memref<2x!tpu.dma_semaphore, #tpu.memory_space<semaphore_mem>> -> memref<1x!tpu.dma_semaphore, #tpu.memory_space<semaphore_mem>>
      %dma_wait3A_457 = tpu.memref_squeeze %dma_wait3A_456 : memref<1x!tpu.dma_semaphore, #tpu.memory_space<semaphore_mem>> -> memref<!tpu.dma_semaphore, #tpu.memory_space<semaphore_mem>>
      tpu.wait_indirect_dma semaphore(%dma_wait3A_457 : memref<!tpu.dma_semaphore, #tpu.memory_space<semaphore_mem>>) src(%dma_wait3A_455 : memref<1015808x32xf32, #tpu.memory_space<hbm>>) dst(%dma_wait3A_451 : memref<128x32xf32, #tpu.memory_space<vmem>>)
      %mul3A_458 = arith.constant 512 : i32
      %mul3A_459 = arith.muli %add3A_438, %mul3A_458 : i32
      %add3A_460 = arith.constant 128 : i32
      %add3A_461 = arith.addi %mul3A_459, %add3A_460 : i32
      %dma_wait3A_462 = arith.constant 1 : i32
      %dma_wait3A_463 = arith.constant 1 : i32
      %dma_wait3A_464 = arith.constant 0 : i32
      %dma_wait3A_465 = arith.constant 0 : i32
      %dma_wait3A_466 = tpu.memref_slice %arg6[%dma_wait3A_462, %dma_wait3A_464, %dma_wait3A_465] : memref<2x512x32xf32, #tpu.memory_space<vmem>> -> memref<1x512x32xf32, #tpu.memory_space<vmem>>
      %dma_wait3A_467 = tpu.memref_squeeze %dma_wait3A_466 : memref<1x512x32xf32, #tpu.memory_space<vmem>> -> memref<512x32xf32, #tpu.memory_space<vmem>>
      %dma_wait3A_468 = arith.constant 128 : i32
      %dma_wait3A_469 = arith.constant 0 : i32
      %dma_wait3A_470 = tpu.memref_slice %dma_wait3A_467[%dma_wait3A_468, %dma_wait3A_469] : memref<512x32xf32, #tpu.memory_space<vmem>> -> memref<128x32xf32, #tpu.memory_space<vmem>>
      %dma_wait3A_471 = tpu.memref_slice %arg5[%add3A_461] : memref<13312xi32, #tpu.memory_space<vmem>> -> memref<128xi32, #tpu.memory_space<vmem>>
      %dma_wait3A_472 = arith.constant 0 : i32
      %dma_wait3A_473 = arith.constant 0 : i32
      %dma_wait3A_474 = tpu.memref_slice %arg2[%dma_wait3A_472, %dma_wait3A_473] : memref<1015808x32xf32, #tpu.memory_space<hbm>> -> memref<1015808x32xf32, #tpu.memory_space<hbm>>
      %dma_wait3A_475 = tpu.memref_slice %arg7[%dma_wait3A_463] : memref<2x!tpu.dma_semaphore, #tpu.memory_space<semaphore_mem>> -> memref<1x!tpu.dma_semaphore, #tpu.memory_space<semaphore_mem>>
      %dma_wait3A_476 = tpu.memref_squeeze %dma_wait3A_475 : memref<1x!tpu.dma_semaphore, #tpu.memory_space<semaphore_mem>> -> memref<!tpu.dma_semaphore, #tpu.memory_space<semaphore_mem>>
      tpu.wait_indirect_dma semaphore(%dma_wait3A_476 : memref<!tpu.dma_semaphore, #tpu.memory_space<semaphore_mem>>) src(%dma_wait3A_474 : memref<1015808x32xf32, #tpu.memory_space<hbm>>) dst(%dma_wait3A_470 : memref<128x32xf32, #tpu.memory_space<vmem>>)
      %mul3A_477 = arith.constant 512 : i32
      %mul3A_478 = arith.muli %add3A_438, %mul3A_477 : i32
      %add3A_479 = arith.constant 256 : i32
      %add3A_480 = arith.addi %mul3A_478, %add3A_479 : i32
      %dma_wait3A_481 = arith.constant 1 : i32
      %dma_wait3A_482 = arith.constant 1 : i32
      %dma_wait3A_483 = arith.constant 0 : i32
      %dma_wait3A_484 = arith.constant 0 : i32
      %dma_wait3A_485 = tpu.memref_slice %arg6[%dma_wait3A_481, %dma_wait3A_483, %dma_wait3A_484] : memref<2x512x32xf32, #tpu.memory_space<vmem>> -> memref<1x512x32xf32, #tpu.memory_space<vmem>>
      %dma_wait3A_486 = tpu.memref_squeeze %dma_wait3A_485 : memref<1x512x32xf32, #tpu.memory_space<vmem>> -> memref<512x32xf32, #tpu.memory_space<vmem>>
      %dma_wait3A_487 = arith.constant 256 : i32
      %dma_wait3A_488 = arith.constant 0 : i32
      %dma_wait3A_489 = tpu.memref_slice %dma_wait3A_486[%dma_wait3A_487, %dma_wait3A_488] : memref<512x32xf32, #tpu.memory_space<vmem>> -> memref<128x32xf32, #tpu.memory_space<vmem>>
      %dma_wait3A_490 = tpu.memref_slice %arg5[%add3A_480] : memref<13312xi32, #tpu.memory_space<vmem>> -> memref<128xi32, #tpu.memory_space<vmem>>
      %dma_wait3A_491 = arith.constant 0 : i32
      %dma_wait3A_492 = arith.constant 0 : i32
      %dma_wait3A_493 = tpu.memref_slice %arg2[%dma_wait3A_491, %dma_wait3A_492] : memref<1015808x32xf32, #tpu.memory_space<hbm>> -> memref<1015808x32xf32, #tpu.memory_space<hbm>>
      %dma_wait3A_494 = tpu.memref_slice %arg7[%dma_wait3A_482] : memref<2x!tpu.dma_semaphore, #tpu.memory_space<semaphore_mem>> -> memref<1x!tpu.dma_semaphore, #tpu.memory_space<semaphore_mem>>
      %dma_wait3A_495 = tpu.memref_squeeze %dma_wait3A_494 : memref<1x!tpu.dma_semaphore, #tpu.memory_space<semaphore_mem>> -> memref<!tpu.dma_semaphore, #tpu.memory_space<semaphore_mem>>
      tpu.wait_indirect_dma semaphore(%dma_wait3A_495 : memref<!tpu.dma_semaphore, #tpu.memory_space<semaphore_mem>>) src(%dma_wait3A_493 : memref<1015808x32xf32, #tpu.memory_space<hbm>>) dst(%dma_wait3A_489 : memref<128x32xf32, #tpu.memory_space<vmem>>)
      %mul3A_496 = arith.constant 512 : i32
      %mul3A_497 = arith.muli %add3A_438, %mul3A_496 : i32
      %add3A_498 = arith.constant 384 : i32
      %add3A_499 = arith.addi %mul3A_497, %add3A_498 : i32
      %dma_wait3A_500 = arith.constant 1 : i32
      %dma_wait3A_501 = arith.constant 1 : i32
      %dma_wait3A_502 = arith.constant 0 : i32
      %dma_wait3A_503 = arith.constant 0 : i32
      %dma_wait3A_504 = tpu.memref_slice %arg6[%dma_wait3A_500, %dma_wait3A_502, %dma_wait3A_503] : memref<2x512x32xf32, #tpu.memory_space<vmem>> -> memref<1x512x32xf32, #tpu.memory_space<vmem>>
      %dma_wait3A_505 = tpu.memref_squeeze %dma_wait3A_504 : memref<1x512x32xf32, #tpu.memory_space<vmem>> -> memref<512x32xf32, #tpu.memory_space<vmem>>
      %dma_wait3A_506 = arith.constant 384 : i32
      %dma_wait3A_507 = arith.constant 0 : i32
      %dma_wait3A_508 = tpu.memref_slice %dma_wait3A_505[%dma_wait3A_506, %dma_wait3A_507] : memref<512x32xf32, #tpu.memory_space<vmem>> -> memref<128x32xf32, #tpu.memory_space<vmem>>
      %dma_wait3A_509 = tpu.memref_slice %arg5[%add3A_499] : memref<13312xi32, #tpu.memory_space<vmem>> -> memref<128xi32, #tpu.memory_space<vmem>>
      %dma_wait3A_510 = arith.constant 0 : i32
      %dma_wait3A_511 = arith.constant 0 : i32
      %dma_wait3A_512 = tpu.memref_slice %arg2[%dma_wait3A_510, %dma_wait3A_511] : memref<1015808x32xf32, #tpu.memory_space<hbm>> -> memref<1015808x32xf32, #tpu.memory_space<hbm>>
      %dma_wait3A_513 = tpu.memref_slice %arg7[%dma_wait3A_501] : memref<2x!tpu.dma_semaphore, #tpu.memory_space<semaphore_mem>> -> memref<1x!tpu.dma_semaphore, #tpu.memory_space<semaphore_mem>>
      %dma_wait3A_514 = tpu.memref_squeeze %dma_wait3A_513 : memref<1x!tpu.dma_semaphore, #tpu.memory_space<semaphore_mem>> -> memref<!tpu.dma_semaphore, #tpu.memory_space<semaphore_mem>>
      tpu.wait_indirect_dma semaphore(%dma_wait3A_514 : memref<!tpu.dma_semaphore, #tpu.memory_space<semaphore_mem>>) src(%dma_wait3A_512 : memref<1015808x32xf32, #tpu.memory_space<hbm>>) dst(%dma_wait3A_508 : memref<128x32xf32, #tpu.memory_space<vmem>>)
      %add3A_515 = arith.constant 1 : i32
      %add3A_516 = arith.addi %add3A_337, %add3A_515 : i32
      %mul3A_517 = arith.constant 512 : i32
      %mul3A_518 = arith.muli %add3A_516, %mul3A_517 : i32
      %add3A_519 = arith.addi %mul3A_2, %mul3A_518 : i32
      %dma_start3A_520 = arith.constant 1 : i32
      %dma_start3A_521 = arith.constant 1 : i32
      %dma_start3A_522 = arith.constant 0 : i32
      %dma_start3A_523 = arith.constant 0 : i32
      %dma_start3A_524 = tpu.memref_slice %arg6[%dma_start3A_520, %dma_start3A_522, %dma_start3A_523] : memref<2x512x32xf32, #tpu.memory_space<vmem>> -> memref<1x512x32xf32, #tpu.memory_space<vmem>>
      %dma_start3A_525 = tpu.memref_squeeze %dma_start3A_524 : memref<1x512x32xf32, #tpu.memory_space<vmem>> -> memref<512x32xf32, #tpu.memory_space<vmem>>
      %dma_start3A_526 = arith.constant 0 : i32
      %dma_start3A_527 = tpu.memref_slice %arg4[%add3A_519, %dma_start3A_526] : memref<425984x32xf32, #tpu.memory_space<hbm>> -> memref<512x32xf32, #tpu.memory_space<hbm>>
      %dma_start3A_528 = tpu.memref_slice %arg8[%dma_start3A_521] : memref<2x!tpu.dma_semaphore, #tpu.memory_space<semaphore_mem>> -> memref<1x!tpu.dma_semaphore, #tpu.memory_space<semaphore_mem>>
      %dma_start3A_529 = tpu.memref_squeeze %dma_start3A_528 : memref<1x!tpu.dma_semaphore, #tpu.memory_space<semaphore_mem>> -> memref<!tpu.dma_semaphore, #tpu.memory_space<semaphore_mem>>
      %dma_start3A_530 = arith.constant 0 : i32
      %dma_start3A_531 = tpu.memref_slice %arg4[%add3A_519, %dma_start3A_530] : memref<425984x32xf32, #tpu.memory_space<hbm>> -> memref<512x32xf32, #tpu.memory_space<hbm>>
      %dma_start3A_532 = arith.constant 0 : i32
      %dma_start3A_533 = arith.constant 0 : i32
      %dma_start3A_534 = tpu.memref_slice %arg6[%dma_start3A_520, %dma_start3A_532, %dma_start3A_533] : memref<2x512x32xf32, #tpu.memory_space<vmem>> -> memref<1x512x32xf32, #tpu.memory_space<vmem>>
      %dma_start3A_535 = tpu.memref_squeeze %dma_start3A_534 : memref<1x512x32xf32, #tpu.memory_space<vmem>> -> memref<512x32xf32, #tpu.memory_space<vmem>>
      tpu.enqueue_dma source(%dma_start3A_535 : memref<512x32xf32, #tpu.memory_space<vmem>>) target(%dma_start3A_531 : memref<512x32xf32, #tpu.memory_space<hbm>>) target_semaphore(%dma_start3A_529 : memref<!tpu.dma_semaphore, #tpu.memory_space<semaphore_mem>>)
      %add3A_536 = arith.constant 0 : i32
      %add3A_537 = arith.addi %add3A_337, %add3A_536 : i32
      %mul3A_538 = arith.constant 512 : i32
      %mul3A_539 = arith.muli %add3A_537, %mul3A_538 : i32
      %add3A_540 = arith.addi %mul3A_2, %mul3A_539 : i32
      %dma_wait3A_541 = arith.constant 0 : i32
      %dma_wait3A_542 = arith.constant 0 : i32
      %dma_wait3A_543 = arith.constant 0 : i32
      %dma_wait3A_544 = arith.constant 0 : i32
      %dma_wait3A_545 = tpu.memref_slice %arg6[%dma_wait3A_541, %dma_wait3A_543, %dma_wait3A_544] : memref<2x512x32xf32, #tpu.memory_space<vmem>> -> memref<1x512x32xf32, #tpu.memory_space<vmem>>
      %dma_wait3A_546 = tpu.memref_squeeze %dma_wait3A_545 : memref<1x512x32xf32, #tpu.memory_space<vmem>> -> memref<512x32xf32, #tpu.memory_space<vmem>>
      %dma_wait3A_547 = arith.constant 0 : i32
      %dma_wait3A_548 = tpu.memref_slice %arg4[%add3A_540, %dma_wait3A_547] : memref<425984x32xf32, #tpu.memory_space<hbm>> -> memref<512x32xf32, #tpu.memory_space<hbm>>
      %dma_wait3A_549 = tpu.memref_slice %arg8[%dma_wait3A_542] : memref<2x!tpu.dma_semaphore, #tpu.memory_space<semaphore_mem>> -> memref<1x!tpu.dma_semaphore, #tpu.memory_space<semaphore_mem>>
      %dma_wait3A_550 = tpu.memref_squeeze %dma_wait3A_549 : memref<1x!tpu.dma_semaphore, #tpu.memory_space<semaphore_mem>> -> memref<!tpu.dma_semaphore, #tpu.memory_space<semaphore_mem>>
      %dma_wait3A_551 = arith.constant 0 : i32
      %dma_wait3A_552 = tpu.memref_slice %arg4[%add3A_540, %dma_wait3A_551] : memref<425984x32xf32, #tpu.memory_space<hbm>> -> memref<512x32xf32, #tpu.memory_space<hbm>>
      %dma_wait3A_553 = arith.constant 0 : i32
      %dma_wait3A_554 = arith.constant 0 : i32
      %dma_wait3A_555 = tpu.memref_slice %arg6[%dma_wait3A_541, %dma_wait3A_553, %dma_wait3A_554] : memref<2x512x32xf32, #tpu.memory_space<vmem>> -> memref<1x512x32xf32, #tpu.memory_space<vmem>>
      %dma_wait3A_556 = tpu.memref_squeeze %dma_wait3A_555 : memref<1x512x32xf32, #tpu.memory_space<vmem>> -> memref<512x32xf32, #tpu.memory_space<vmem>>
      tpu.wait_dma2 semaphore(%dma_wait3A_550 : memref<!tpu.dma_semaphore, #tpu.memory_space<semaphore_mem>>) src(%dma_wait3A_556 : memref<512x32xf32, #tpu.memory_space<vmem>>) dst(%dma_wait3A_552 : memref<512x32xf32, #tpu.memory_space<hbm>>)
      %add3A_557 = arith.constant 2 : i32
      %add3A_558 = arith.addi %add3A_337, %add3A_557 : i32
      %add3A_559 = arith.constant 0 : i32
      %add3A_560 = arith.addi %add3A_558, %add3A_559 : i32
      %mul3A_561 = arith.constant 512 : i32
      %mul3A_562 = arith.muli %add3A_560, %mul3A_561 : i32
      %add3A_563 = arith.constant 0 : i32
      %add3A_564 = arith.addi %mul3A_562, %add3A_563 : i32
      %dma_start3A_565 = arith.constant 0 : i32
      %dma_start3A_566 = arith.constant 0 : i32
      %dma_start3A_567 = arith.constant 0 : i32
      %dma_start3A_568 = arith.constant 0 : i32
      %dma_start3A_569 = tpu.memref_slice %arg6[%dma_start3A_565, %dma_start3A_567, %dma_start3A_568] : memref<2x512x32xf32, #tpu.memory_space<vmem>> -> memref<1x512x32xf32, #tpu.memory_space<vmem>>
      %dma_start3A_570 = tpu.memref_squeeze %dma_start3A_569 : memref<1x512x32xf32, #tpu.memory_space<vmem>> -> memref<512x32xf32, #tpu.memory_space<vmem>>
      %dma_start3A_571 = arith.constant 0 : i32
      %dma_start3A_572 = arith.constant 0 : i32
      %dma_start3A_573 = tpu.memref_slice %dma_start3A_570[%dma_start3A_571, %dma_start3A_572] : memref<512x32xf32, #tpu.memory_space<vmem>> -> memref<128x32xf32, #tpu.memory_space<vmem>>
      %dma_start3A_574 = tpu.memref_slice %arg5[%add3A_564] : memref<13312xi32, #tpu.memory_space<vmem>> -> memref<128xi32, #tpu.memory_space<vmem>>
      %dma_start3A_575 = arith.constant 0 : i32
      %dma_start3A_576 = arith.constant 0 : i32
      %dma_start3A_577 = tpu.memref_slice %arg2[%dma_start3A_575, %dma_start3A_576] : memref<1015808x32xf32, #tpu.memory_space<hbm>> -> memref<1015808x32xf32, #tpu.memory_space<hbm>>
      %dma_start3A_578 = tpu.memref_slice %arg7[%dma_start3A_566] : memref<2x!tpu.dma_semaphore, #tpu.memory_space<semaphore_mem>> -> memref<1x!tpu.dma_semaphore, #tpu.memory_space<semaphore_mem>>
      %dma_start3A_579 = tpu.memref_squeeze %dma_start3A_578 : memref<1x!tpu.dma_semaphore, #tpu.memory_space<semaphore_mem>> -> memref<!tpu.dma_semaphore, #tpu.memory_space<semaphore_mem>>
      tpu.enqueue_indirect_dma source(%dma_start3A_577 : memref<1015808x32xf32, #tpu.memory_space<hbm>>) target(%dma_start3A_573 : memref<128x32xf32, #tpu.memory_space<vmem>>) offsets(%dma_start3A_574 : memref<128xi32, #tpu.memory_space<vmem>>) semaphore(%dma_start3A_579 : memref<!tpu.dma_semaphore, #tpu.memory_space<semaphore_mem>>)
      %mul3A_580 = arith.constant 512 : i32
      %mul3A_581 = arith.muli %add3A_560, %mul3A_580 : i32
      %add3A_582 = arith.constant 128 : i32
      %add3A_583 = arith.addi %mul3A_581, %add3A_582 : i32
      %dma_start3A_584 = arith.constant 0 : i32
      %dma_start3A_585 = arith.constant 0 : i32
      %dma_start3A_586 = arith.constant 0 : i32
      %dma_start3A_587 = arith.constant 0 : i32
      %dma_start3A_588 = tpu.memref_slice %arg6[%dma_start3A_584, %dma_start3A_586, %dma_start3A_587] : memref<2x512x32xf32, #tpu.memory_space<vmem>> -> memref<1x512x32xf32, #tpu.memory_space<vmem>>
      %dma_start3A_589 = tpu.memref_squeeze %dma_start3A_588 : memref<1x512x32xf32, #tpu.memory_space<vmem>> -> memref<512x32xf32, #tpu.memory_space<vmem>>
      %dma_start3A_590 = arith.constant 128 : i32
      %dma_start3A_591 = arith.constant 0 : i32
      %dma_start3A_592 = tpu.memref_slice %dma_start3A_589[%dma_start3A_590, %dma_start3A_591] : memref<512x32xf32, #tpu.memory_space<vmem>> -> memref<128x32xf32, #tpu.memory_space<vmem>>
      %dma_start3A_593 = tpu.memref_slice %arg5[%add3A_583] : memref<13312xi32, #tpu.memory_space<vmem>> -> memref<128xi32, #tpu.memory_space<vmem>>
      %dma_start3A_594 = arith.constant 0 : i32
      %dma_start3A_595 = arith.constant 0 : i32
      %dma_start3A_596 = tpu.memref_slice %arg2[%dma_start3A_594, %dma_start3A_595] : memref<1015808x32xf32, #tpu.memory_space<hbm>> -> memref<1015808x32xf32, #tpu.memory_space<hbm>>
      %dma_start3A_597 = tpu.memref_slice %arg7[%dma_start3A_585] : memref<2x!tpu.dma_semaphore, #tpu.memory_space<semaphore_mem>> -> memref<1x!tpu.dma_semaphore, #tpu.memory_space<semaphore_mem>>
      %dma_start3A_598 = tpu.memref_squeeze %dma_start3A_597 : memref<1x!tpu.dma_semaphore, #tpu.memory_space<semaphore_mem>> -> memref<!tpu.dma_semaphore, #tpu.memory_space<semaphore_mem>>
      tpu.enqueue_indirect_dma source(%dma_start3A_596 : memref<1015808x32xf32, #tpu.memory_space<hbm>>) target(%dma_start3A_592 : memref<128x32xf32, #tpu.memory_space<vmem>>) offsets(%dma_start3A_593 : memref<128xi32, #tpu.memory_space<vmem>>) semaphore(%dma_start3A_598 : memref<!tpu.dma_semaphore, #tpu.memory_space<semaphore_mem>>)
      %mul3A_599 = arith.constant 512 : i32
      %mul3A_600 = arith.muli %add3A_560, %mul3A_599 : i32
      %add3A_601 = arith.constant 256 : i32
      %add3A_602 = arith.addi %mul3A_600, %add3A_601 : i32
      %dma_start3A_603 = arith.constant 0 : i32
      %dma_start3A_604 = arith.constant 0 : i32
      %dma_start3A_605 = arith.constant 0 : i32
      %dma_start3A_606 = arith.constant 0 : i32
      %dma_start3A_607 = tpu.memref_slice %arg6[%dma_start3A_603, %dma_start3A_605, %dma_start3A_606] : memref<2x512x32xf32, #tpu.memory_space<vmem>> -> memref<1x512x32xf32, #tpu.memory_space<vmem>>
      %dma_start3A_608 = tpu.memref_squeeze %dma_start3A_607 : memref<1x512x32xf32, #tpu.memory_space<vmem>> -> memref<512x32xf32, #tpu.memory_space<vmem>>
      %dma_start3A_609 = arith.constant 256 : i32
      %dma_start3A_610 = arith.constant 0 : i32
      %dma_start3A_611 = tpu.memref_slice %dma_start3A_608[%dma_start3A_609, %dma_start3A_610] : memref<512x32xf32, #tpu.memory_space<vmem>> -> memref<128x32xf32, #tpu.memory_space<vmem>>
      %dma_start3A_612 = tpu.memref_slice %arg5[%add3A_602] : memref<13312xi32, #tpu.memory_space<vmem>> -> memref<128xi32, #tpu.memory_space<vmem>>
      %dma_start3A_613 = arith.constant 0 : i32
      %dma_start3A_614 = arith.constant 0 : i32
      %dma_start3A_615 = tpu.memref_slice %arg2[%dma_start3A_613, %dma_start3A_614] : memref<1015808x32xf32, #tpu.memory_space<hbm>> -> memref<1015808x32xf32, #tpu.memory_space<hbm>>
      %dma_start3A_616 = tpu.memref_slice %arg7[%dma_start3A_604] : memref<2x!tpu.dma_semaphore, #tpu.memory_space<semaphore_mem>> -> memref<1x!tpu.dma_semaphore, #tpu.memory_space<semaphore_mem>>
      %dma_start3A_617 = tpu.memref_squeeze %dma_start3A_616 : memref<1x!tpu.dma_semaphore, #tpu.memory_space<semaphore_mem>> -> memref<!tpu.dma_semaphore, #tpu.memory_space<semaphore_mem>>
      tpu.enqueue_indirect_dma source(%dma_start3A_615 : memref<1015808x32xf32, #tpu.memory_space<hbm>>) target(%dma_start3A_611 : memref<128x32xf32, #tpu.memory_space<vmem>>) offsets(%dma_start3A_612 : memref<128xi32, #tpu.memory_space<vmem>>) semaphore(%dma_start3A_617 : memref<!tpu.dma_semaphore, #tpu.memory_space<semaphore_mem>>)
      %mul3A_618 = arith.constant 512 : i32
      %mul3A_619 = arith.muli %add3A_560, %mul3A_618 : i32
      %add3A_620 = arith.constant 384 : i32
      %add3A_621 = arith.addi %mul3A_619, %add3A_620 : i32
      %dma_start3A_622 = arith.constant 0 : i32
      %dma_start3A_623 = arith.constant 0 : i32
      %dma_start3A_624 = arith.constant 0 : i32
      %dma_start3A_625 = arith.constant 0 : i32
      %dma_start3A_626 = tpu.memref_slice %arg6[%dma_start3A_622, %dma_start3A_624, %dma_start3A_625] : memref<2x512x32xf32, #tpu.memory_space<vmem>> -> memref<1x512x32xf32, #tpu.memory_space<vmem>>
      %dma_start3A_627 = tpu.memref_squeeze %dma_start3A_626 : memref<1x512x32xf32, #tpu.memory_space<vmem>> -> memref<512x32xf32, #tpu.memory_space<vmem>>
      %dma_start3A_628 = arith.constant 384 : i32
      %dma_start3A_629 = arith.constant 0 : i32
      %dma_start3A_630 = tpu.memref_slice %dma_start3A_627[%dma_start3A_628, %dma_start3A_629] : memref<512x32xf32, #tpu.memory_space<vmem>> -> memref<128x32xf32, #tpu.memory_space<vmem>>
      %dma_start3A_631 = tpu.memref_slice %arg5[%add3A_621] : memref<13312xi32, #tpu.memory_space<vmem>> -> memref<128xi32, #tpu.memory_space<vmem>>
      %dma_start3A_632 = arith.constant 0 : i32
      %dma_start3A_633 = arith.constant 0 : i32
      %dma_start3A_634 = tpu.memref_slice %arg2[%dma_start3A_632, %dma_start3A_633] : memref<1015808x32xf32, #tpu.memory_space<hbm>> -> memref<1015808x32xf32, #tpu.memory_space<hbm>>
      %dma_start3A_635 = tpu.memref_slice %arg7[%dma_start3A_623] : memref<2x!tpu.dma_semaphore, #tpu.memory_space<semaphore_mem>> -> memref<1x!tpu.dma_semaphore, #tpu.memory_space<semaphore_mem>>
      %dma_start3A_636 = tpu.memref_squeeze %dma_start3A_635 : memref<1x!tpu.dma_semaphore, #tpu.memory_space<semaphore_mem>> -> memref<!tpu.dma_semaphore, #tpu.memory_space<semaphore_mem>>
      tpu.enqueue_indirect_dma source(%dma_start3A_634 : memref<1015808x32xf32, #tpu.memory_space<hbm>>) target(%dma_start3A_630 : memref<128x32xf32, #tpu.memory_space<vmem>>) offsets(%dma_start3A_631 : memref<128xi32, #tpu.memory_space<vmem>>) semaphore(%dma_start3A_636 : memref<!tpu.dma_semaphore, #tpu.memory_space<semaphore_mem>>)
      %add3A_637 = arith.constant 1 : i32
      %add3A_638 = arith.addi %add3A_337, %add3A_637 : i32
      %mul3A_639 = arith.constant 512 : i32
      %mul3A_640 = arith.muli %add3A_638, %mul3A_639 : i32
      %add3A_641 = arith.addi %mul3A_2, %mul3A_640 : i32
      %dma_wait3A_642 = arith.constant 1 : i32
      %dma_wait3A_643 = arith.constant 1 : i32
      %dma_wait3A_644 = arith.constant 0 : i32
      %dma_wait3A_645 = arith.constant 0 : i32
      %dma_wait3A_646 = tpu.memref_slice %arg6[%dma_wait3A_642, %dma_wait3A_644, %dma_wait3A_645] : memref<2x512x32xf32, #tpu.memory_space<vmem>> -> memref<1x512x32xf32, #tpu.memory_space<vmem>>
      %dma_wait3A_647 = tpu.memref_squeeze %dma_wait3A_646 : memref<1x512x32xf32, #tpu.memory_space<vmem>> -> memref<512x32xf32, #tpu.memory_space<vmem>>
      %dma_wait3A_648 = arith.constant 0 : i32
      %dma_wait3A_649 = tpu.memref_slice %arg4[%add3A_641, %dma_wait3A_648] : memref<425984x32xf32, #tpu.memory_space<hbm>> -> memref<512x32xf32, #tpu.memory_space<hbm>>
      %dma_wait3A_650 = tpu.memref_slice %arg8[%dma_wait3A_643] : memref<2x!tpu.dma_semaphore, #tpu.memory_space<semaphore_mem>> -> memref<1x!tpu.dma_semaphore, #tpu.memory_space<semaphore_mem>>
      %dma_wait3A_651 = tpu.memref_squeeze %dma_wait3A_650 : memref<1x!tpu.dma_semaphore, #tpu.memory_space<semaphore_mem>> -> memref<!tpu.dma_semaphore, #tpu.memory_space<semaphore_mem>>
      %dma_wait3A_652 = arith.constant 0 : i32
      %dma_wait3A_653 = tpu.memref_slice %arg4[%add3A_641, %dma_wait3A_652] : memref<425984x32xf32, #tpu.memory_space<hbm>> -> memref<512x32xf32, #tpu.memory_space<hbm>>
      %dma_wait3A_654 = arith.constant 0 : i32
      %dma_wait3A_655 = arith.constant 0 : i32
      %dma_wait3A_656 = tpu.memref_slice %arg6[%dma_wait3A_642, %dma_wait3A_654, %dma_wait3A_655] : memref<2x512x32xf32, #tpu.memory_space<vmem>> -> memref<1x512x32xf32, #tpu.memory_space<vmem>>
      %dma_wait3A_657 = tpu.memref_squeeze %dma_wait3A_656 : memref<1x512x32xf32, #tpu.memory_space<vmem>> -> memref<512x32xf32, #tpu.memory_space<vmem>>
      tpu.wait_dma2 semaphore(%dma_wait3A_651 : memref<!tpu.dma_semaphore, #tpu.memory_space<semaphore_mem>>) src(%dma_wait3A_657 : memref<512x32xf32, #tpu.memory_space<vmem>>) dst(%dma_wait3A_653 : memref<512x32xf32, #tpu.memory_space<hbm>>)
      %add3A_658 = arith.constant 2 : i32
      %add3A_659 = arith.addi %add3A_337, %add3A_658 : i32
      %add3A_660 = arith.constant 1 : i32
      %add3A_661 = arith.addi %add3A_659, %add3A_660 : i32
      %mul3A_662 = arith.constant 512 : i32
      %mul3A_663 = arith.muli %add3A_661, %mul3A_662 : i32
      %add3A_664 = arith.constant 0 : i32
      %add3A_665 = arith.addi %mul3A_663, %add3A_664 : i32
      %dma_start3A_666 = arith.constant 1 : i32
      %dma_start3A_667 = arith.constant 1 : i32
      %dma_start3A_668 = arith.constant 0 : i32
      %dma_start3A_669 = arith.constant 0 : i32
      %dma_start3A_670 = tpu.memref_slice %arg6[%dma_start3A_666, %dma_start3A_668, %dma_start3A_669] : memref<2x512x32xf32, #tpu.memory_space<vmem>> -> memref<1x512x32xf32, #tpu.memory_space<vmem>>
      %dma_start3A_671 = tpu.memref_squeeze %dma_start3A_670 : memref<1x512x32xf32, #tpu.memory_space<vmem>> -> memref<512x32xf32, #tpu.memory_space<vmem>>
      %dma_start3A_672 = arith.constant 0 : i32
      %dma_start3A_673 = arith.constant 0 : i32
      %dma_start3A_674 = tpu.memref_slice %dma_start3A_671[%dma_start3A_672, %dma_start3A_673] : memref<512x32xf32, #tpu.memory_space<vmem>> -> memref<128x32xf32, #tpu.memory_space<vmem>>
      %dma_start3A_675 = tpu.memref_slice %arg5[%add3A_665] : memref<13312xi32, #tpu.memory_space<vmem>> -> memref<128xi32, #tpu.memory_space<vmem>>
      %dma_start3A_676 = arith.constant 0 : i32
      %dma_start3A_677 = arith.constant 0 : i32
      %dma_start3A_678 = tpu.memref_slice %arg2[%dma_start3A_676, %dma_start3A_677] : memref<1015808x32xf32, #tpu.memory_space<hbm>> -> memref<1015808x32xf32, #tpu.memory_space<hbm>>
      %dma_start3A_679 = tpu.memref_slice %arg7[%dma_start3A_667] : memref<2x!tpu.dma_semaphore, #tpu.memory_space<semaphore_mem>> -> memref<1x!tpu.dma_semaphore, #tpu.memory_space<semaphore_mem>>
      %dma_start3A_680 = tpu.memref_squeeze %dma_start3A_679 : memref<1x!tpu.dma_semaphore, #tpu.memory_space<semaphore_mem>> -> memref<!tpu.dma_semaphore, #tpu.memory_space<semaphore_mem>>
      tpu.enqueue_indirect_dma source(%dma_start3A_678 : memref<1015808x32xf32, #tpu.memory_space<hbm>>) target(%dma_start3A_674 : memref<128x32xf32, #tpu.memory_space<vmem>>) offsets(%dma_start3A_675 : memref<128xi32, #tpu.memory_space<vmem>>) semaphore(%dma_start3A_680 : memref<!tpu.dma_semaphore, #tpu.memory_space<semaphore_mem>>)
      %mul3A_681 = arith.constant 512 : i32
      %mul3A_682 = arith.muli %add3A_661, %mul3A_681 : i32
      %add3A_683 = arith.constant 128 : i32
      %add3A_684 = arith.addi %mul3A_682, %add3A_683 : i32
      %dma_start3A_685 = arith.constant 1 : i32
      %dma_start3A_686 = arith.constant 1 : i32
      %dma_start3A_687 = arith.constant 0 : i32
      %dma_start3A_688 = arith.constant 0 : i32
      %dma_start3A_689 = tpu.memref_slice %arg6[%dma_start3A_685, %dma_start3A_687, %dma_start3A_688] : memref<2x512x32xf32, #tpu.memory_space<vmem>> -> memref<1x512x32xf32, #tpu.memory_space<vmem>>
      %dma_start3A_690 = tpu.memref_squeeze %dma_start3A_689 : memref<1x512x32xf32, #tpu.memory_space<vmem>> -> memref<512x32xf32, #tpu.memory_space<vmem>>
      %dma_start3A_691 = arith.constant 128 : i32
      %dma_start3A_692 = arith.constant 0 : i32
      %dma_start3A_693 = tpu.memref_slice %dma_start3A_690[%dma_start3A_691, %dma_start3A_692] : memref<512x32xf32, #tpu.memory_space<vmem>> -> memref<128x32xf32, #tpu.memory_space<vmem>>
      %dma_start3A_694 = tpu.memref_slice %arg5[%add3A_684] : memref<13312xi32, #tpu.memory_space<vmem>> -> memref<128xi32, #tpu.memory_space<vmem>>
      %dma_start3A_695 = arith.constant 0 : i32
      %dma_start3A_696 = arith.constant 0 : i32
      %dma_start3A_697 = tpu.memref_slice %arg2[%dma_start3A_695, %dma_start3A_696] : memref<1015808x32xf32, #tpu.memory_space<hbm>> -> memref<1015808x32xf32, #tpu.memory_space<hbm>>
      %dma_start3A_698 = tpu.memref_slice %arg7[%dma_start3A_686] : memref<2x!tpu.dma_semaphore, #tpu.memory_space<semaphore_mem>> -> memref<1x!tpu.dma_semaphore, #tpu.memory_space<semaphore_mem>>
      %dma_start3A_699 = tpu.memref_squeeze %dma_start3A_698 : memref<1x!tpu.dma_semaphore, #tpu.memory_space<semaphore_mem>> -> memref<!tpu.dma_semaphore, #tpu.memory_space<semaphore_mem>>
      tpu.enqueue_indirect_dma source(%dma_start3A_697 : memref<1015808x32xf32, #tpu.memory_space<hbm>>) target(%dma_start3A_693 : memref<128x32xf32, #tpu.memory_space<vmem>>) offsets(%dma_start3A_694 : memref<128xi32, #tpu.memory_space<vmem>>) semaphore(%dma_start3A_699 : memref<!tpu.dma_semaphore, #tpu.memory_space<semaphore_mem>>)
      %mul3A_700 = arith.constant 512 : i32
      %mul3A_701 = arith.muli %add3A_661, %mul3A_700 : i32
      %add3A_702 = arith.constant 256 : i32
      %add3A_703 = arith.addi %mul3A_701, %add3A_702 : i32
      %dma_start3A_704 = arith.constant 1 : i32
      %dma_start3A_705 = arith.constant 1 : i32
      %dma_start3A_706 = arith.constant 0 : i32
      %dma_start3A_707 = arith.constant 0 : i32
      %dma_start3A_708 = tpu.memref_slice %arg6[%dma_start3A_704, %dma_start3A_706, %dma_start3A_707] : memref<2x512x32xf32, #tpu.memory_space<vmem>> -> memref<1x512x32xf32, #tpu.memory_space<vmem>>
      %dma_start3A_709 = tpu.memref_squeeze %dma_start3A_708 : memref<1x512x32xf32, #tpu.memory_space<vmem>> -> memref<512x32xf32, #tpu.memory_space<vmem>>
      %dma_start3A_710 = arith.constant 256 : i32
      %dma_start3A_711 = arith.constant 0 : i32
      %dma_start3A_712 = tpu.memref_slice %dma_start3A_709[%dma_start3A_710, %dma_start3A_711] : memref<512x32xf32, #tpu.memory_space<vmem>> -> memref<128x32xf32, #tpu.memory_space<vmem>>
      %dma_start3A_713 = tpu.memref_slice %arg5[%add3A_703] : memref<13312xi32, #tpu.memory_space<vmem>> -> memref<128xi32, #tpu.memory_space<vmem>>
      %dma_start3A_714 = arith.constant 0 : i32
      %dma_start3A_715 = arith.constant 0 : i32
      %dma_start3A_716 = tpu.memref_slice %arg2[%dma_start3A_714, %dma_start3A_715] : memref<1015808x32xf32, #tpu.memory_space<hbm>> -> memref<1015808x32xf32, #tpu.memory_space<hbm>>
      %dma_start3A_717 = tpu.memref_slice %arg7[%dma_start3A_705] : memref<2x!tpu.dma_semaphore, #tpu.memory_space<semaphore_mem>> -> memref<1x!tpu.dma_semaphore, #tpu.memory_space<semaphore_mem>>
      %dma_start3A_718 = tpu.memref_squeeze %dma_start3A_717 : memref<1x!tpu.dma_semaphore, #tpu.memory_space<semaphore_mem>> -> memref<!tpu.dma_semaphore, #tpu.memory_space<semaphore_mem>>
      tpu.enqueue_indirect_dma source(%dma_start3A_716 : memref<1015808x32xf32, #tpu.memory_space<hbm>>) target(%dma_start3A_712 : memref<128x32xf32, #tpu.memory_space<vmem>>) offsets(%dma_start3A_713 : memref<128xi32, #tpu.memory_space<vmem>>) semaphore(%dma_start3A_718 : memref<!tpu.dma_semaphore, #tpu.memory_space<semaphore_mem>>)
      %mul3A_719 = arith.constant 512 : i32
      %mul3A_720 = arith.muli %add3A_661, %mul3A_719 : i32
      %add3A_721 = arith.constant 384 : i32
      %add3A_722 = arith.addi %mul3A_720, %add3A_721 : i32
      %dma_start3A_723 = arith.constant 1 : i32
      %dma_start3A_724 = arith.constant 1 : i32
      %dma_start3A_725 = arith.constant 0 : i32
      %dma_start3A_726 = arith.constant 0 : i32
      %dma_start3A_727 = tpu.memref_slice %arg6[%dma_start3A_723, %dma_start3A_725, %dma_start3A_726] : memref<2x512x32xf32, #tpu.memory_space<vmem>> -> memref<1x512x32xf32, #tpu.memory_space<vmem>>
      %dma_start3A_728 = tpu.memref_squeeze %dma_start3A_727 : memref<1x512x32xf32, #tpu.memory_space<vmem>> -> memref<512x32xf32, #tpu.memory_space<vmem>>
      %dma_start3A_729 = arith.constant 384 : i32
      %dma_start3A_730 = arith.constant 0 : i32
      %dma_start3A_731 = tpu.memref_slice %dma_start3A_728[%dma_start3A_729, %dma_start3A_730] : memref<512x32xf32, #tpu.memory_space<vmem>> -> memref<128x32xf32, #tpu.memory_space<vmem>>
      %dma_start3A_732 = tpu.memref_slice %arg5[%add3A_722] : memref<13312xi32, #tpu.memory_space<vmem>> -> memref<128xi32, #tpu.memory_space<vmem>>
      %dma_start3A_733 = arith.constant 0 : i32
      %dma_start3A_734 = arith.constant 0 : i32
      %dma_start3A_735 = tpu.memref_slice %arg2[%dma_start3A_733, %dma_start3A_734] : memref<1015808x32xf32, #tpu.memory_space<hbm>> -> memref<1015808x32xf32, #tpu.memory_space<hbm>>
      %dma_start3A_736 = tpu.memref_slice %arg7[%dma_start3A_724] : memref<2x!tpu.dma_semaphore, #tpu.memory_space<semaphore_mem>> -> memref<1x!tpu.dma_semaphore, #tpu.memory_space<semaphore_mem>>
      %dma_start3A_737 = tpu.memref_squeeze %dma_start3A_736 : memref<1x!tpu.dma_semaphore, #tpu.memory_space<semaphore_mem>> -> memref<!tpu.dma_semaphore, #tpu.memory_space<semaphore_mem>>
      tpu.enqueue_indirect_dma source(%dma_start3A_735 : memref<1015808x32xf32, #tpu.memory_space<hbm>>) target(%dma_start3A_731 : memref<128x32xf32, #tpu.memory_space<vmem>>) offsets(%dma_start3A_732 : memref<128xi32, #tpu.memory_space<vmem>>) semaphore(%dma_start3A_737 : memref<!tpu.dma_semaphore, #tpu.memory_space<semaphore_mem>>)
    }
    %scan3A_133 = arith.constant 12 : i32
    %dma_wait3A = arith.constant 0 : i32
    %dma_wait3A_134 = arith.constant 0 : i32
    %dma_wait3A_135 = arith.constant 0 : i32
    %dma_wait3A_136 = arith.constant 0 : i32
    %dma_wait3A_137 = tpu.memref_slice %arg6[%dma_wait3A, %dma_wait3A_135, %dma_wait3A_136] : memref<2x512x32xf32, #tpu.memory_space<vmem>> -> memref<1x512x32xf32, #tpu.memory_space<vmem>>
    %dma_wait3A_138 = tpu.memref_squeeze %dma_wait3A_137 : memref<1x512x32xf32, #tpu.memory_space<vmem>> -> memref<512x32xf32, #tpu.memory_space<vmem>>
    %dma_wait3A_139 = arith.constant 0 : i32
    %dma_wait3A_140 = arith.constant 0 : i32
    %dma_wait3A_141 = tpu.memref_slice %dma_wait3A_138[%dma_wait3A_139, %dma_wait3A_140] : memref<512x32xf32, #tpu.memory_space<vmem>> -> memref<128x32xf32, #tpu.memory_space<vmem>>
    %dma_wait3A_142 = arith.constant 12288 : i32
    %dma_wait3A_143 = tpu.memref_slice %arg5[%dma_wait3A_142] : memref<13312xi32, #tpu.memory_space<vmem>> -> memref<128xi32, #tpu.memory_space<vmem>>
    %dma_wait3A_144 = arith.constant 0 : i32
    %dma_wait3A_145 = arith.constant 0 : i32
    %dma_wait3A_146 = tpu.memref_slice %arg2[%dma_wait3A_144, %dma_wait3A_145] : memref<1015808x32xf32, #tpu.memory_space<hbm>> -> memref<1015808x32xf32, #tpu.memory_space<hbm>>
    %dma_wait3A_147 = tpu.memref_slice %arg7[%dma_wait3A_134] : memref<2x!tpu.dma_semaphore, #tpu.memory_space<semaphore_mem>> -> memref<1x!tpu.dma_semaphore, #tpu.memory_space<semaphore_mem>>
    %dma_wait3A_148 = tpu.memref_squeeze %dma_wait3A_147 : memref<1x!tpu.dma_semaphore, #tpu.memory_space<semaphore_mem>> -> memref<!tpu.dma_semaphore, #tpu.memory_space<semaphore_mem>>
    tpu.wait_indirect_dma semaphore(%dma_wait3A_148 : memref<!tpu.dma_semaphore, #tpu.memory_space<semaphore_mem>>) src(%dma_wait3A_146 : memref<1015808x32xf32, #tpu.memory_space<hbm>>) dst(%dma_wait3A_141 : memref<128x32xf32, #tpu.memory_space<vmem>>)
    %dma_wait3A_149 = arith.constant 0 : i32
    %dma_wait3A_150 = arith.constant 0 : i32
    %dma_wait3A_151 = arith.constant 0 : i32
    %dma_wait3A_152 = arith.constant 0 : i32
    %dma_wait3A_153 = tpu.memref_slice %arg6[%dma_wait3A_149, %dma_wait3A_151, %dma_wait3A_152] : memref<2x512x32xf32, #tpu.memory_space<vmem>> -> memref<1x512x32xf32, #tpu.memory_space<vmem>>
    %dma_wait3A_154 = tpu.memref_squeeze %dma_wait3A_153 : memref<1x512x32xf32, #tpu.memory_space<vmem>> -> memref<512x32xf32, #tpu.memory_space<vmem>>
    %dma_wait3A_155 = arith.constant 128 : i32
    %dma_wait3A_156 = arith.constant 0 : i32
    %dma_wait3A_157 = tpu.memref_slice %dma_wait3A_154[%dma_wait3A_155, %dma_wait3A_156] : memref<512x32xf32, #tpu.memory_space<vmem>> -> memref<128x32xf32, #tpu.memory_space<vmem>>
    %dma_wait3A_158 = arith.constant 12416 : i32
    %dma_wait3A_159 = tpu.memref_slice %arg5[%dma_wait3A_158] : memref<13312xi32, #tpu.memory_space<vmem>> -> memref<128xi32, #tpu.memory_space<vmem>>
    %dma_wait3A_160 = arith.constant 0 : i32
    %dma_wait3A_161 = arith.constant 0 : i32
    %dma_wait3A_162 = tpu.memref_slice %arg2[%dma_wait3A_160, %dma_wait3A_161] : memref<1015808x32xf32, #tpu.memory_space<hbm>> -> memref<1015808x32xf32, #tpu.memory_space<hbm>>
    %dma_wait3A_163 = tpu.memref_slice %arg7[%dma_wait3A_150] : memref<2x!tpu.dma_semaphore, #tpu.memory_space<semaphore_mem>> -> memref<1x!tpu.dma_semaphore, #tpu.memory_space<semaphore_mem>>
    %dma_wait3A_164 = tpu.memref_squeeze %dma_wait3A_163 : memref<1x!tpu.dma_semaphore, #tpu.memory_space<semaphore_mem>> -> memref<!tpu.dma_semaphore, #tpu.memory_space<semaphore_mem>>
    tpu.wait_indirect_dma semaphore(%dma_wait3A_164 : memref<!tpu.dma_semaphore, #tpu.memory_space<semaphore_mem>>) src(%dma_wait3A_162 : memref<1015808x32xf32, #tpu.memory_space<hbm>>) dst(%dma_wait3A_157 : memref<128x32xf32, #tpu.memory_space<vmem>>)
    %dma_wait3A_165 = arith.constant 0 : i32
    %dma_wait3A_166 = arith.constant 0 : i32
    %dma_wait3A_167 = arith.constant 0 : i32
    %dma_wait3A_168 = arith.constant 0 : i32
    %dma_wait3A_169 = tpu.memref_slice %arg6[%dma_wait3A_165, %dma_wait3A_167, %dma_wait3A_168] : memref<2x512x32xf32, #tpu.memory_space<vmem>> -> memref<1x512x32xf32, #tpu.memory_space<vmem>>
    %dma_wait3A_170 = tpu.memref_squeeze %dma_wait3A_169 : memref<1x512x32xf32, #tpu.memory_space<vmem>> -> memref<512x32xf32, #tpu.memory_space<vmem>>
    %dma_wait3A_171 = arith.constant 256 : i32
    %dma_wait3A_172 = arith.constant 0 : i32
    %dma_wait3A_173 = tpu.memref_slice %dma_wait3A_170[%dma_wait3A_171, %dma_wait3A_172] : memref<512x32xf32, #tpu.memory_space<vmem>> -> memref<128x32xf32, #tpu.memory_space<vmem>>
    %dma_wait3A_174 = arith.constant 12544 : i32
    %dma_wait3A_175 = tpu.memref_slice %arg5[%dma_wait3A_174] : memref<13312xi32, #tpu.memory_space<vmem>> -> memref<128xi32, #tpu.memory_space<vmem>>
    %dma_wait3A_176 = arith.constant 0 : i32
    %dma_wait3A_177 = arith.constant 0 : i32
    %dma_wait3A_178 = tpu.memref_slice %arg2[%dma_wait3A_176, %dma_wait3A_177] : memref<1015808x32xf32, #tpu.memory_space<hbm>> -> memref<1015808x32xf32, #tpu.memory_space<hbm>>
    %dma_wait3A_179 = tpu.memref_slice %arg7[%dma_wait3A_166] : memref<2x!tpu.dma_semaphore, #tpu.memory_space<semaphore_mem>> -> memref<1x!tpu.dma_semaphore, #tpu.memory_space<semaphore_mem>>
    %dma_wait3A_180 = tpu.memref_squeeze %dma_wait3A_179 : memref<1x!tpu.dma_semaphore, #tpu.memory_space<semaphore_mem>> -> memref<!tpu.dma_semaphore, #tpu.memory_space<semaphore_mem>>
    tpu.wait_indirect_dma semaphore(%dma_wait3A_180 : memref<!tpu.dma_semaphore, #tpu.memory_space<semaphore_mem>>) src(%dma_wait3A_178 : memref<1015808x32xf32, #tpu.memory_space<hbm>>) dst(%dma_wait3A_173 : memref<128x32xf32, #tpu.memory_space<vmem>>)
    %dma_wait3A_181 = arith.constant 0 : i32
    %dma_wait3A_182 = arith.constant 0 : i32
    %dma_wait3A_183 = arith.constant 0 : i32
    %dma_wait3A_184 = arith.constant 0 : i32
    %dma_wait3A_185 = tpu.memref_slice %arg6[%dma_wait3A_181, %dma_wait3A_183, %dma_wait3A_184] : memref<2x512x32xf32, #tpu.memory_space<vmem>> -> memref<1x512x32xf32, #tpu.memory_space<vmem>>
    %dma_wait3A_186 = tpu.memref_squeeze %dma_wait3A_185 : memref<1x512x32xf32, #tpu.memory_space<vmem>> -> memref<512x32xf32, #tpu.memory_space<vmem>>
    %dma_wait3A_187 = arith.constant 384 : i32
    %dma_wait3A_188 = arith.constant 0 : i32
    %dma_wait3A_189 = tpu.memref_slice %dma_wait3A_186[%dma_wait3A_187, %dma_wait3A_188] : memref<512x32xf32, #tpu.memory_space<vmem>> -> memref<128x32xf32, #tpu.memory_space<vmem>>
    %dma_wait3A_190 = arith.constant 12672 : i32
    %dma_wait3A_191 = tpu.memref_slice %arg5[%dma_wait3A_190] : memref<13312xi32, #tpu.memory_space<vmem>> -> memref<128xi32, #tpu.memory_space<vmem>>
    %dma_wait3A_192 = arith.constant 0 : i32
    %dma_wait3A_193 = arith.constant 0 : i32
    %dma_wait3A_194 = tpu.memref_slice %arg2[%dma_wait3A_192, %dma_wait3A_193] : memref<1015808x32xf32, #tpu.memory_space<hbm>> -> memref<1015808x32xf32, #tpu.memory_space<hbm>>
    %dma_wait3A_195 = tpu.memref_slice %arg7[%dma_wait3A_182] : memref<2x!tpu.dma_semaphore, #tpu.memory_space<semaphore_mem>> -> memref<1x!tpu.dma_semaphore, #tpu.memory_space<semaphore_mem>>
    %dma_wait3A_196 = tpu.memref_squeeze %dma_wait3A_195 : memref<1x!tpu.dma_semaphore, #tpu.memory_space<semaphore_mem>> -> memref<!tpu.dma_semaphore, #tpu.memory_space<semaphore_mem>>
    tpu.wait_indirect_dma semaphore(%dma_wait3A_196 : memref<!tpu.dma_semaphore, #tpu.memory_space<semaphore_mem>>) src(%dma_wait3A_194 : memref<1015808x32xf32, #tpu.memory_space<hbm>>) dst(%dma_wait3A_189 : memref<128x32xf32, #tpu.memory_space<vmem>>)
    %add3A_197 = arith.constant 12288 : i32
    %add3A_198 = arith.addi %mul3A_2, %add3A_197 : i32
    %dma_start3A_199 = arith.constant 0 : i32
    %dma_start3A_200 = arith.constant 0 : i32
    %dma_start3A_201 = arith.constant 0 : i32
    %dma_start3A_202 = arith.constant 0 : i32
    %dma_start3A_203 = tpu.memref_slice %arg6[%dma_start3A_199, %dma_start3A_201, %dma_start3A_202] : memref<2x512x32xf32, #tpu.memory_space<vmem>> -> memref<1x512x32xf32, #tpu.memory_space<vmem>>
    %dma_start3A_204 = tpu.memref_squeeze %dma_start3A_203 : memref<1x512x32xf32, #tpu.memory_space<vmem>> -> memref<512x32xf32, #tpu.memory_space<vmem>>
    %dma_start3A_205 = arith.constant 0 : i32
    %dma_start3A_206 = tpu.memref_slice %arg4[%add3A_198, %dma_start3A_205] : memref<425984x32xf32, #tpu.memory_space<hbm>> -> memref<512x32xf32, #tpu.memory_space<hbm>>
    %dma_start3A_207 = tpu.memref_slice %arg8[%dma_start3A_200] : memref<2x!tpu.dma_semaphore, #tpu.memory_space<semaphore_mem>> -> memref<1x!tpu.dma_semaphore, #tpu.memory_space<semaphore_mem>>
    %dma_start3A_208 = tpu.memref_squeeze %dma_start3A_207 : memref<1x!tpu.dma_semaphore, #tpu.memory_space<semaphore_mem>> -> memref<!tpu.dma_semaphore, #tpu.memory_space<semaphore_mem>>
    %dma_start3A_209 = arith.constant 0 : i32
    %dma_start3A_210 = tpu.memref_slice %arg4[%add3A_198, %dma_start3A_209] : memref<425984x32xf32, #tpu.memory_space<hbm>> -> memref<512x32xf32, #tpu.memory_space<hbm>>
    %dma_start3A_211 = arith.constant 0 : i32
    %dma_start3A_212 = arith.constant 0 : i32
    %dma_start3A_213 = tpu.memref_slice %arg6[%dma_start3A_199, %dma_start3A_211, %dma_start3A_212] : memref<2x512x32xf32, #tpu.memory_space<vmem>> -> memref<1x512x32xf32, #tpu.memory_space<vmem>>
    %dma_start3A_214 = tpu.memref_squeeze %dma_start3A_213 : memref<1x512x32xf32, #tpu.memory_space<vmem>> -> memref<512x32xf32, #tpu.memory_space<vmem>>
    tpu.enqueue_dma source(%dma_start3A_214 : memref<512x32xf32, #tpu.memory_space<vmem>>) target(%dma_start3A_210 : memref<512x32xf32, #tpu.memory_space<hbm>>) target_semaphore(%dma_start3A_208 : memref<!tpu.dma_semaphore, #tpu.memory_space<semaphore_mem>>)
    %dma_wait3A_215 = arith.constant 1 : i32
    %dma_wait3A_216 = arith.constant 1 : i32
    %dma_wait3A_217 = arith.constant 0 : i32
    %dma_wait3A_218 = arith.constant 0 : i32
    %dma_wait3A_219 = tpu.memref_slice %arg6[%dma_wait3A_215, %dma_wait3A_217, %dma_wait3A_218] : memref<2x512x32xf32, #tpu.memory_space<vmem>> -> memref<1x512x32xf32, #tpu.memory_space<vmem>>
    %dma_wait3A_220 = tpu.memref_squeeze %dma_wait3A_219 : memref<1x512x32xf32, #tpu.memory_space<vmem>> -> memref<512x32xf32, #tpu.memory_space<vmem>>
    %dma_wait3A_221 = arith.constant 0 : i32
    %dma_wait3A_222 = arith.constant 0 : i32
    %dma_wait3A_223 = tpu.memref_slice %dma_wait3A_220[%dma_wait3A_221, %dma_wait3A_222] : memref<512x32xf32, #tpu.memory_space<vmem>> -> memref<128x32xf32, #tpu.memory_space<vmem>>
    %dma_wait3A_224 = arith.constant 12800 : i32
    %dma_wait3A_225 = tpu.memref_slice %arg5[%dma_wait3A_224] : memref<13312xi32, #tpu.memory_space<vmem>> -> memref<128xi32, #tpu.memory_space<vmem>>
    %dma_wait3A_226 = arith.constant 0 : i32
    %dma_wait3A_227 = arith.constant 0 : i32
    %dma_wait3A_228 = tpu.memref_slice %arg2[%dma_wait3A_226, %dma_wait3A_227] : memref<1015808x32xf32, #tpu.memory_space<hbm>> -> memref<1015808x32xf32, #tpu.memory_space<hbm>>
    %dma_wait3A_229 = tpu.memref_slice %arg7[%dma_wait3A_216] : memref<2x!tpu.dma_semaphore, #tpu.memory_space<semaphore_mem>> -> memref<1x!tpu.dma_semaphore, #tpu.memory_space<semaphore_mem>>
    %dma_wait3A_230 = tpu.memref_squeeze %dma_wait3A_229 : memref<1x!tpu.dma_semaphore, #tpu.memory_space<semaphore_mem>> -> memref<!tpu.dma_semaphore, #tpu.memory_space<semaphore_mem>>
    tpu.wait_indirect_dma semaphore(%dma_wait3A_230 : memref<!tpu.dma_semaphore, #tpu.memory_space<semaphore_mem>>) src(%dma_wait3A_228 : memref<1015808x32xf32, #tpu.memory_space<hbm>>) dst(%dma_wait3A_223 : memref<128x32xf32, #tpu.memory_space<vmem>>)
    %dma_wait3A_231 = arith.constant 1 : i32
    %dma_wait3A_232 = arith.constant 1 : i32
    %dma_wait3A_233 = arith.constant 0 : i32
    %dma_wait3A_234 = arith.constant 0 : i32
    %dma_wait3A_235 = tpu.memref_slice %arg6[%dma_wait3A_231, %dma_wait3A_233, %dma_wait3A_234] : memref<2x512x32xf32, #tpu.memory_space<vmem>> -> memref<1x512x32xf32, #tpu.memory_space<vmem>>
    %dma_wait3A_236 = tpu.memref_squeeze %dma_wait3A_235 : memref<1x512x32xf32, #tpu.memory_space<vmem>> -> memref<512x32xf32, #tpu.memory_space<vmem>>
    %dma_wait3A_237 = arith.constant 128 : i32
    %dma_wait3A_238 = arith.constant 0 : i32
    %dma_wait3A_239 = tpu.memref_slice %dma_wait3A_236[%dma_wait3A_237, %dma_wait3A_238] : memref<512x32xf32, #tpu.memory_space<vmem>> -> memref<128x32xf32, #tpu.memory_space<vmem>>
    %dma_wait3A_240 = arith.constant 12928 : i32
    %dma_wait3A_241 = tpu.memref_slice %arg5[%dma_wait3A_240] : memref<13312xi32, #tpu.memory_space<vmem>> -> memref<128xi32, #tpu.memory_space<vmem>>
    %dma_wait3A_242 = arith.constant 0 : i32
    %dma_wait3A_243 = arith.constant 0 : i32
    %dma_wait3A_244 = tpu.memref_slice %arg2[%dma_wait3A_242, %dma_wait3A_243] : memref<1015808x32xf32, #tpu.memory_space<hbm>> -> memref<1015808x32xf32, #tpu.memory_space<hbm>>
    %dma_wait3A_245 = tpu.memref_slice %arg7[%dma_wait3A_232] : memref<2x!tpu.dma_semaphore, #tpu.memory_space<semaphore_mem>> -> memref<1x!tpu.dma_semaphore, #tpu.memory_space<semaphore_mem>>
    %dma_wait3A_246 = tpu.memref_squeeze %dma_wait3A_245 : memref<1x!tpu.dma_semaphore, #tpu.memory_space<semaphore_mem>> -> memref<!tpu.dma_semaphore, #tpu.memory_space<semaphore_mem>>
    tpu.wait_indirect_dma semaphore(%dma_wait3A_246 : memref<!tpu.dma_semaphore, #tpu.memory_space<semaphore_mem>>) src(%dma_wait3A_244 : memref<1015808x32xf32, #tpu.memory_space<hbm>>) dst(%dma_wait3A_239 : memref<128x32xf32, #tpu.memory_space<vmem>>)
    %dma_wait3A_247 = arith.constant 1 : i32
    %dma_wait3A_248 = arith.constant 1 : i32
    %dma_wait3A_249 = arith.constant 0 : i32
    %dma_wait3A_250 = arith.constant 0 : i32
    %dma_wait3A_251 = tpu.memref_slice %arg6[%dma_wait3A_247, %dma_wait3A_249, %dma_wait3A_250] : memref<2x512x32xf32, #tpu.memory_space<vmem>> -> memref<1x512x32xf32, #tpu.memory_space<vmem>>
    %dma_wait3A_252 = tpu.memref_squeeze %dma_wait3A_251 : memref<1x512x32xf32, #tpu.memory_space<vmem>> -> memref<512x32xf32, #tpu.memory_space<vmem>>
    %dma_wait3A_253 = arith.constant 256 : i32
    %dma_wait3A_254 = arith.constant 0 : i32
    %dma_wait3A_255 = tpu.memref_slice %dma_wait3A_252[%dma_wait3A_253, %dma_wait3A_254] : memref<512x32xf32, #tpu.memory_space<vmem>> -> memref<128x32xf32, #tpu.memory_space<vmem>>
    %dma_wait3A_256 = arith.constant 13056 : i32
    %dma_wait3A_257 = tpu.memref_slice %arg5[%dma_wait3A_256] : memref<13312xi32, #tpu.memory_space<vmem>> -> memref<128xi32, #tpu.memory_space<vmem>>
    %dma_wait3A_258 = arith.constant 0 : i32
    %dma_wait3A_259 = arith.constant 0 : i32
    %dma_wait3A_260 = tpu.memref_slice %arg2[%dma_wait3A_258, %dma_wait3A_259] : memref<1015808x32xf32, #tpu.memory_space<hbm>> -> memref<1015808x32xf32, #tpu.memory_space<hbm>>
    %dma_wait3A_261 = tpu.memref_slice %arg7[%dma_wait3A_248] : memref<2x!tpu.dma_semaphore, #tpu.memory_space<semaphore_mem>> -> memref<1x!tpu.dma_semaphore, #tpu.memory_space<semaphore_mem>>
    %dma_wait3A_262 = tpu.memref_squeeze %dma_wait3A_261 : memref<1x!tpu.dma_semaphore, #tpu.memory_space<semaphore_mem>> -> memref<!tpu.dma_semaphore, #tpu.memory_space<semaphore_mem>>
    tpu.wait_indirect_dma semaphore(%dma_wait3A_262 : memref<!tpu.dma_semaphore, #tpu.memory_space<semaphore_mem>>) src(%dma_wait3A_260 : memref<1015808x32xf32, #tpu.memory_space<hbm>>) dst(%dma_wait3A_255 : memref<128x32xf32, #tpu.memory_space<vmem>>)
    %dma_wait3A_263 = arith.constant 1 : i32
    %dma_wait3A_264 = arith.constant 1 : i32
    %dma_wait3A_265 = arith.constant 0 : i32
    %dma_wait3A_266 = arith.constant 0 : i32
    %dma_wait3A_267 = tpu.memref_slice %arg6[%dma_wait3A_263, %dma_wait3A_265, %dma_wait3A_266] : memref<2x512x32xf32, #tpu.memory_space<vmem>> -> memref<1x512x32xf32, #tpu.memory_space<vmem>>
    %dma_wait3A_268 = tpu.memref_squeeze %dma_wait3A_267 : memref<1x512x32xf32, #tpu.memory_space<vmem>> -> memref<512x32xf32, #tpu.memory_space<vmem>>
    %dma_wait3A_269 = arith.constant 384 : i32
    %dma_wait3A_270 = arith.constant 0 : i32
    %dma_wait3A_271 = tpu.memref_slice %dma_wait3A_268[%dma_wait3A_269, %dma_wait3A_270] : memref<512x32xf32, #tpu.memory_space<vmem>> -> memref<128x32xf32, #tpu.memory_space<vmem>>
    %dma_wait3A_272 = arith.constant 13184 : i32
    %dma_wait3A_273 = tpu.memref_slice %arg5[%dma_wait3A_272] : memref<13312xi32, #tpu.memory_space<vmem>> -> memref<128xi32, #tpu.memory_space<vmem>>
    %dma_wait3A_274 = arith.constant 0 : i32
    %dma_wait3A_275 = arith.constant 0 : i32
    %dma_wait3A_276 = tpu.memref_slice %arg2[%dma_wait3A_274, %dma_wait3A_275] : memref<1015808x32xf32, #tpu.memory_space<hbm>> -> memref<1015808x32xf32, #tpu.memory_space<hbm>>
    %dma_wait3A_277 = tpu.memref_slice %arg7[%dma_wait3A_264] : memref<2x!tpu.dma_semaphore, #tpu.memory_space<semaphore_mem>> -> memref<1x!tpu.dma_semaphore, #tpu.memory_space<semaphore_mem>>
    %dma_wait3A_278 = tpu.memref_squeeze %dma_wait3A_277 : memref<1x!tpu.dma_semaphore, #tpu.memory_space<semaphore_mem>> -> memref<!tpu.dma_semaphore, #tpu.memory_space<semaphore_mem>>
    tpu.wait_indirect_dma semaphore(%dma_wait3A_278 : memref<!tpu.dma_semaphore, #tpu.memory_space<semaphore_mem>>) src(%dma_wait3A_276 : memref<1015808x32xf32, #tpu.memory_space<hbm>>) dst(%dma_wait3A_271 : memref<128x32xf32, #tpu.memory_space<vmem>>)
    %add3A_279 = arith.constant 12800 : i32
    %add3A_280 = arith.addi %mul3A_2, %add3A_279 : i32
    %dma_start3A_281 = arith.constant 1 : i32
    %dma_start3A_282 = arith.constant 1 : i32
    %dma_start3A_283 = arith.constant 0 : i32
    %dma_start3A_284 = arith.constant 0 : i32
    %dma_start3A_285 = tpu.memref_slice %arg6[%dma_start3A_281, %dma_start3A_283, %dma_start3A_284] : memref<2x512x32xf32, #tpu.memory_space<vmem>> -> memref<1x512x32xf32, #tpu.memory_space<vmem>>
    %dma_start3A_286 = tpu.memref_squeeze %dma_start3A_285 : memref<1x512x32xf32, #tpu.memory_space<vmem>> -> memref<512x32xf32, #tpu.memory_space<vmem>>
    %dma_start3A_287 = arith.constant 0 : i32
    %dma_start3A_288 = tpu.memref_slice %arg4[%add3A_280, %dma_start3A_287] : memref<425984x32xf32, #tpu.memory_space<hbm>> -> memref<512x32xf32, #tpu.memory_space<hbm>>
    %dma_start3A_289 = tpu.memref_slice %arg8[%dma_start3A_282] : memref<2x!tpu.dma_semaphore, #tpu.memory_space<semaphore_mem>> -> memref<1x!tpu.dma_semaphore, #tpu.memory_space<semaphore_mem>>
    %dma_start3A_290 = tpu.memref_squeeze %dma_start3A_289 : memref<1x!tpu.dma_semaphore, #tpu.memory_space<semaphore_mem>> -> memref<!tpu.dma_semaphore, #tpu.memory_space<semaphore_mem>>
    %dma_start3A_291 = arith.constant 0 : i32
    %dma_start3A_292 = tpu.memref_slice %arg4[%add3A_280, %dma_start3A_291] : memref<425984x32xf32, #tpu.memory_space<hbm>> -> memref<512x32xf32, #tpu.memory_space<hbm>>
    %dma_start3A_293 = arith.constant 0 : i32
    %dma_start3A_294 = arith.constant 0 : i32
    %dma_start3A_295 = tpu.memref_slice %arg6[%dma_start3A_281, %dma_start3A_293, %dma_start3A_294] : memref<2x512x32xf32, #tpu.memory_space<vmem>> -> memref<1x512x32xf32, #tpu.memory_space<vmem>>
    %dma_start3A_296 = tpu.memref_squeeze %dma_start3A_295 : memref<1x512x32xf32, #tpu.memory_space<vmem>> -> memref<512x32xf32, #tpu.memory_space<vmem>>
    tpu.enqueue_dma source(%dma_start3A_296 : memref<512x32xf32, #tpu.memory_space<vmem>>) target(%dma_start3A_292 : memref<512x32xf32, #tpu.memory_space<hbm>>) target_semaphore(%dma_start3A_290 : memref<!tpu.dma_semaphore, #tpu.memory_space<semaphore_mem>>)
    %add3A_297 = arith.constant 12288 : i32
    %add3A_298 = arith.addi %mul3A_2, %add3A_297 : i32
    %dma_wait3A_299 = arith.constant 0 : i32
    %dma_wait3A_300 = arith.constant 0 : i32
    %dma_wait3A_301 = arith.constant 0 : i32
    %dma_wait3A_302 = arith.constant 0 : i32
    %dma_wait3A_303 = tpu.memref_slice %arg6[%dma_wait3A_299, %dma_wait3A_301, %dma_wait3A_302] : memref<2x512x32xf32, #tpu.memory_space<vmem>> -> memref<1x512x32xf32, #tpu.memory_space<vmem>>
    %dma_wait3A_304 = tpu.memref_squeeze %dma_wait3A_303 : memref<1x512x32xf32, #tpu.memory_space<vmem>> -> memref<512x32xf32, #tpu.memory_space<vmem>>
    %dma_wait3A_305 = arith.constant 0 : i32
    %dma_wait3A_306 = tpu.memref_slice %arg4[%add3A_298, %dma_wait3A_305] : memref<425984x32xf32, #tpu.memory_space<hbm>> -> memref<512x32xf32, #tpu.memory_space<hbm>>
    %dma_wait3A_307 = tpu.memref_slice %arg8[%dma_wait3A_300] : memref<2x!tpu.dma_semaphore, #tpu.memory_space<semaphore_mem>> -> memref<1x!tpu.dma_semaphore, #tpu.memory_space<semaphore_mem>>
    %dma_wait3A_308 = tpu.memref_squeeze %dma_wait3A_307 : memref<1x!tpu.dma_semaphore, #tpu.memory_space<semaphore_mem>> -> memref<!tpu.dma_semaphore, #tpu.memory_space<semaphore_mem>>
    %dma_wait3A_309 = arith.constant 0 : i32
    %dma_wait3A_310 = tpu.memref_slice %arg4[%add3A_298, %dma_wait3A_309] : memref<425984x32xf32, #tpu.memory_space<hbm>> -> memref<512x32xf32, #tpu.memory_space<hbm>>
    %dma_wait3A_311 = arith.constant 0 : i32
    %dma_wait3A_312 = arith.constant 0 : i32
    %dma_wait3A_313 = tpu.memref_slice %arg6[%dma_wait3A_299, %dma_wait3A_311, %dma_wait3A_312] : memref<2x512x32xf32, #tpu.memory_space<vmem>> -> memref<1x512x32xf32, #tpu.memory_space<vmem>>
    %dma_wait3A_314 = tpu.memref_squeeze %dma_wait3A_313 : memref<1x512x32xf32, #tpu.memory_space<vmem>> -> memref<512x32xf32, #tpu.memory_space<vmem>>
    tpu.wait_dma2 semaphore(%dma_wait3A_308 : memref<!tpu.dma_semaphore, #tpu.memory_space<semaphore_mem>>) src(%dma_wait3A_314 : memref<512x32xf32, #tpu.memory_space<vmem>>) dst(%dma_wait3A_310 : memref<512x32xf32, #tpu.memory_space<hbm>>)
    %add3A_315 = arith.constant 12800 : i32
    %add3A_316 = arith.addi %mul3A_2, %add3A_315 : i32
    %dma_wait3A_317 = arith.constant 1 : i32
    %dma_wait3A_318 = arith.constant 1 : i32
    %dma_wait3A_319 = arith.constant 0 : i32
    %dma_wait3A_320 = arith.constant 0 : i32
    %dma_wait3A_321 = tpu.memref_slice %arg6[%dma_wait3A_317, %dma_wait3A_319, %dma_wait3A_320] : memref<2x512x32xf32, #tpu.memory_space<vmem>> -> memref<1x512x32xf32, #tpu.memory_space<vmem>>
    %dma_wait3A_322 = tpu.memref_squeeze %dma_wait3A_321 : memref<1x512x32xf32, #tpu.memory_space<vmem>> -> memref<512x32xf32, #tpu.memory_space<vmem>>
    %dma_wait3A_323 = arith.constant 0 : i32
    %dma_wait3A_324 = tpu.memref_slice %arg4[%add3A_316, %dma_wait3A_323] : memref<425984x32xf32, #tpu.memory_space<hbm>> -> memref<512x32xf32, #tpu.memory_space<hbm>>
    %dma_wait3A_325 = tpu.memref_slice %arg8[%dma_wait3A_318] : memref<2x!tpu.dma_semaphore, #tpu.memory_space<semaphore_mem>> -> memref<1x!tpu.dma_semaphore, #tpu.memory_space<semaphore_mem>>
    %dma_wait3A_326 = tpu.memref_squeeze %dma_wait3A_325 : memref<1x!tpu.dma_semaphore, #tpu.memory_space<semaphore_mem>> -> memref<!tpu.dma_semaphore, #tpu.memory_space<semaphore_mem>>
    %dma_wait3A_327 = arith.constant 0 : i32
    %dma_wait3A_328 = tpu.memref_slice %arg4[%add3A_316, %dma_wait3A_327] : memref<425984x32xf32, #tpu.memory_space<hbm>> -> memref<512x32xf32, #tpu.memory_space<hbm>>
    %dma_wait3A_329 = arith.constant 0 : i32
    %dma_wait3A_330 = arith.constant 0 : i32
    %dma_wait3A_331 = tpu.memref_slice %arg6[%dma_wait3A_317, %dma_wait3A_329, %dma_wait3A_330] : memref<2x512x32xf32, #tpu.memory_space<vmem>> -> memref<1x512x32xf32, #tpu.memory_space<vmem>>
    %dma_wait3A_332 = tpu.memref_squeeze %dma_wait3A_331 : memref<1x512x32xf32, #tpu.memory_space<vmem>> -> memref<512x32xf32, #tpu.memory_space<vmem>>
    tpu.wait_dma2 semaphore(%dma_wait3A_326 : memref<!tpu.dma_semaphore, #tpu.memory_space<semaphore_mem>>) src(%dma_wait3A_332 : memref<512x32xf32, #tpu.memory_space<vmem>>) dst(%dma_wait3A_328 : memref<512x32xf32, #tpu.memory_space<hbm>>)
    return
  }
}

module attributes {stable_mosaic.version = 14 : i64} {
  func.func @_tt_body(%arg0: i32, %arg1: memref<32x8192xf32, #tpu.memory_space<vmem>>, %arg2: memref<32x8192xf32, #tpu.memory_space<vmem>>, %arg3: memref<32x8192xf32, #tpu.memory_space<vmem>>, %arg4: memref<32x8192xf32, #tpu.memory_space<vmem>>, %arg5: memref<8192x128xf32, #tpu.memory_space<vmem>>) attributes {dimension_semantics = [#tpu.dimension_semantics<arbitrary>], iteration_bounds = array<i64: 31>, scalar_prefetch = 0 : i64, scratch_operands = 0 : i64, tpu.core_type = #tpu.core_type<tc>, window_params = [{transform_indices = @transform_0, window_bounds = array<i64: 32, 8192>}, {transform_indices = @transform_1, window_bounds = array<i64: 32, 8192>}, {transform_indices = @transform_2, window_bounds = array<i64: 32, 8192>}, {transform_indices = @transform_3, window_bounds = array<i64: 32, 8192>}, {transform_indices = @transform_4, window_bounds = array<i64: 8192, 128>}]} {
    %get3A = arith.constant 0 : index
    %get3A_0 = arith.constant 0 : index
    %get3A_1 = vector.load %arg1[%get3A, %get3A_0] : memref<32x8192xf32, #tpu.memory_space<vmem>>, vector<32x8192xf32>
    %transpose3A = tpu.transpose %get3A_1, [1, 0] : vector<32x8192xf32> -> vector<8192x32xf32>
    %get3A_2 = arith.constant 0 : index
    %get3A_3 = arith.constant 0 : index
    %get3A_4 = vector.load %arg2[%get3A_2, %get3A_3] : memref<32x8192xf32, #tpu.memory_space<vmem>>, vector<32x8192xf32>
    %transpose3A_5 = tpu.transpose %get3A_4, [1, 0] : vector<32x8192xf32> -> vector<8192x32xf32>
    %get3A_6 = arith.constant 0 : index
    %get3A_7 = arith.constant 0 : index
    %get3A_8 = vector.load %arg3[%get3A_6, %get3A_7] : memref<32x8192xf32, #tpu.memory_space<vmem>>, vector<32x8192xf32>
    %transpose3A_9 = tpu.transpose %get3A_8, [1, 0] : vector<32x8192xf32> -> vector<8192x32xf32>
    %get3A_10 = arith.constant 0 : index
    %get3A_11 = arith.constant 0 : index
    %get3A_12 = vector.load %arg4[%get3A_10, %get3A_11] : memref<32x8192xf32, #tpu.memory_space<vmem>>, vector<32x8192xf32>
    %transpose3A_13 = tpu.transpose %get3A_12, [1, 0] : vector<32x8192xf32> -> vector<8192x32xf32>
    %concatenate3A = tpu.concatenate %transpose3A, %transpose3A_5, %transpose3A_9, %transpose3A_13 in 1 : vector<8192x32xf32>, vector<8192x32xf32>, vector<8192x32xf32>, vector<8192x32xf32> -> vector<8192x128xf32>
    %swap3A = arith.constant 0 : index
    %swap3A_14 = arith.constant 0 : index
    %swap3A_15 = vector.load %arg5[%swap3A, %swap3A_14] : memref<8192x128xf32, #tpu.memory_space<vmem>>, vector<8192x128xf32>
    tpu.vector_store %arg5[%swap3A, %swap3A_14], %concatenate3A {strides = array<i32>} : memref<8192x128xf32, #tpu.memory_space<vmem>>, vector<8192x128xf32>,
    return
  }
  func.func @transform_0(%arg0: i32) -> (i32, i32) {
    %mul3A = arith.constant 4 : i32
    %mul3A_0 = arith.muli %mul3A, %arg0 : i32
    %add3A = arith.constant 0 : i32
    %add3A_1 = arith.addi %mul3A_0, %add3A : i32
    %min3A = arith.constant 122 : i32
    %min3A_2 = arith.minsi %add3A_1, %min3A : i32
    %c0_i32 = arith.constant 0 : i32
    %c0_i32_3 = arith.constant 0 : i32
    return %c0_i32, %min3A_2 : i32, i32
  }
  func.func @transform_1(%arg0: i32) -> (i32, i32) {
    %mul3A = arith.constant 4 : i32
    %mul3A_0 = arith.muli %mul3A, %arg0 : i32
    %add3A = arith.constant 1 : i32
    %add3A_1 = arith.addi %mul3A_0, %add3A : i32
    %min3A = arith.constant 122 : i32
    %min3A_2 = arith.minsi %add3A_1, %min3A : i32
    %c0_i32 = arith.constant 0 : i32
    %c0_i32_3 = arith.constant 0 : i32
    return %c0_i32, %min3A_2 : i32, i32
  }
  func.func @transform_2(%arg0: i32) -> (i32, i32) {
    %mul3A = arith.constant 4 : i32
    %mul3A_0 = arith.muli %mul3A, %arg0 : i32
    %add3A = arith.constant 2 : i32
    %add3A_1 = arith.addi %mul3A_0, %add3A : i32
    %min3A = arith.constant 122 : i32
    %min3A_2 = arith.minsi %add3A_1, %min3A : i32
    %c0_i32 = arith.constant 0 : i32
    %c0_i32_3 = arith.constant 0 : i32
    return %c0_i32, %min3A_2 : i32, i32
  }
  func.func @transform_3(%arg0: i32) -> (i32, i32) {
    %mul3A = arith.constant 4 : i32
    %mul3A_0 = arith.muli %mul3A, %arg0 : i32
    %add3A = arith.constant 3 : i32
    %add3A_1 = arith.addi %mul3A_0, %add3A : i32
    %min3A = arith.constant 122 : i32
    %min3A_2 = arith.minsi %add3A_1, %min3A : i32
    %c0_i32 = arith.constant 0 : i32
    %c0_i32_3 = arith.constant 0 : i32
    return %c0_i32, %min3A_2 : i32, i32
  }
  func.func @transform_4(%arg0: i32) -> (i32, i32) {
    %c0_i32 = arith.constant 0 : i32
    %c0_i32_0 = arith.constant 0 : i32
    return %arg0, %c0_i32 : i32, i32
  }
}

module attributes {stable_mosaic.version = 14 : i64} {
  func.func @_ot_body(%arg0: i32, %arg1: i32, %arg2: memref<4096x128xf32, #tpu.memory_space<vmem>>, %arg3: memref<1x32x16384xf32, #tpu.memory_space<vmem>>) attributes {dimension_semantics = [#tpu.dimension_semantics<arbitrary>, #tpu.dimension_semantics<arbitrary>], iteration_bounds = array<i64: 26, 1>, scalar_prefetch = 0 : i64, scratch_operands = 0 : i64, tpu.core_type = #tpu.core_type<tc>, window_params = [{transform_indices = @transform_0, window_bounds = array<i64: 4096, 128>}, {transform_indices = @transform_1, window_bounds = array<i64: 1, 32, 16384>}]} {
    %get3A = arith.constant 0 : index
    %get3A_0 = arith.constant 0 : index
    %get3A_1 = vector.load %arg2[%get3A, %get3A_0] : memref<4096x128xf32, #tpu.memory_space<vmem>>, vector<4096x32xf32>
    %transpose3A = tpu.transpose %get3A_1, [1, 0] : vector<4096x32xf32> -> vector<32x4096xf32>
    %get3A_2 = arith.constant 0 : index
    %get3A_3 = arith.constant 32 : index
    %get3A_4 = vector.load %arg2[%get3A_2, %get3A_3] : memref<4096x128xf32, #tpu.memory_space<vmem>>, vector<4096x32xf32>
    %transpose3A_5 = tpu.transpose %get3A_4, [1, 0] : vector<4096x32xf32> -> vector<32x4096xf32>
    %get3A_6 = arith.constant 0 : index
    %get3A_7 = arith.constant 64 : index
    %get3A_8 = vector.load %arg2[%get3A_6, %get3A_7] : memref<4096x128xf32, #tpu.memory_space<vmem>>, vector<4096x32xf32>
    %transpose3A_9 = tpu.transpose %get3A_8, [1, 0] : vector<4096x32xf32> -> vector<32x4096xf32>
    %get3A_10 = arith.constant 0 : index
    %get3A_11 = arith.constant 96 : index
    %get3A_12 = vector.load %arg2[%get3A_10, %get3A_11] : memref<4096x128xf32, #tpu.memory_space<vmem>>, vector<4096x32xf32>
    %transpose3A_13 = tpu.transpose %get3A_12, [1, 0] : vector<4096x32xf32> -> vector<32x4096xf32>
    %concatenate3A = tpu.concatenate %transpose3A, %transpose3A_5, %transpose3A_9, %transpose3A_13 in 1 : vector<32x4096xf32>, vector<32x4096xf32>, vector<32x4096xf32>, vector<32x4096xf32> -> vector<32x16384xf32>
    %swap3A = arith.constant 0 : index
    %swap3A_14 = arith.constant 0 : index
    %swap3A_15 = arith.constant 0 : index
    %swap3A_16 = vector.load %arg3[%swap3A, %swap3A_14, %swap3A_15] : memref<1x32x16384xf32, #tpu.memory_space<vmem>>, vector<1x32x16384xf32>
    %swap3A_17 = vector.shape_cast %swap3A_16 : vector<1x32x16384xf32> to vector<32x16384xf32>
    %swap3A_18 = vector.shape_cast %concatenate3A : vector<32x16384xf32> to vector<1x32x16384xf32>
    tpu.vector_store %arg3[%swap3A, %swap3A_14, %swap3A_15], %swap3A_18 {strides = array<i32>} : memref<1x32x16384xf32, #tpu.memory_space<vmem>>, vector<1x32x16384xf32>,
    return
  }
  func.func @transform_0(%arg0: i32, %arg1: i32) -> (i32, i32) {
    %mul3A = arith.constant 1 : i32
    %mul3A_0 = arith.muli %arg0, %mul3A : i32
    %add3A = arith.addi %mul3A_0, %arg1 : i32
    %c0_i32 = arith.constant 0 : i32
    %c0_i32_1 = arith.constant 0 : i32
    return %add3A, %c0_i32 : i32, i32
  }
  func.func @transform_1(%arg0: i32, %arg1: i32) -> (i32, i32, i32) {
    %c0_i32 = arith.constant 0 : i32
    %c0_i32_0 = arith.constant 0 : i32
    return %arg0, %c0_i32, %arg1 : i32, i32, i32
  }
}

</mosaic_0001>

<sc_bundles>
// kernel: kernel.5.cloned.1.call-start
scs
__scs_entry_jumppad:
0x0: {  	(pc) =	sbr.rel $0x88, $3  }
0x1: {  	(tag) =	ssettag $0x0;
	lr =	simm.s32 $0x1  }
0x2: {  	[smem:$0x3F9F] =	sst lr;
	_ =	strace $0xD0000000  }
0x3: {  	_ = 	snop  }
0x4: {  	_ = 	snop  }
0x5: {  	_ = 	snop  }
0x6: {  	_ = 	snop  }
0x7: {  	_ = 	snop  }
__scs_overlays_trampoline_lowered:
0x8: {  	[smem:$0x3FAE] =	sst s0  }
0x9: {  	[smem:$0x3FAF] =	sst s1  }
0xa: {  	[smem:$0x3FB0] =	sst s2  }
0xb: {  	[smem:$0x3FB1] =	sst s3  }
0xc: {  	[smem:$0x3FB2] =	sst s4  }
0xd: {  	[smem:$0x3FB3] =	sst s5  }
0xe: {  	[smem:$0x3FB4] =	sst s6  }
0xf: {  	[smem:$0x3FB5] =	sst s7  }
0x10: {  	[smem:$0x3FB6] =	sst s8  }
0x11: {  	[smem:$0x3FB7] =	sst s9;
	s0 =	simm.s32 @!p0 $0x0  }
0x12: {  	s1 =	sld [smem:$0x3F9D];
	s0 =	simm.s32 @p0 $0x1  }
0x13: {  	[smem:$0x3FB8] =	sst s0;
	s0 =	simm.s32 @!p1 $0x0  }
0x14: {  	s2 =	sld [smem:$0x3F9C];
	s0 =	simm.s32 @p1 $0x1  }
0x15: {  	[smem:$0x3FB9] =	sst s0;
	s0 =	simm.s32 @!p2 $0x0  }
0x16: {  	s3 =	sld [smem:$0x3FDB];
	s0 =	simm.s32 @p2 $0x1  }
0x17: {  	s4 =	simm.s32 $0x1BF5;
	[smem:$0x3FBB] =	sst s0  }
0x18: {  	s0 =	sld [smem:$0x3F9E];
	_ =	swait.ge [sflag:s4], $0x0  }
0x19: {  	s7 =	sld [smem:$0x3F9F]  }
0x1a: {  	s8 =	sadd.s32 $0xFFFFE003, lr  }
0x1b: {  	s9 =	sadd.s32 $0xFFFFFEF7, lr;
	s5 =	simm.s32 $0xFFFFFFFF;
	p2 =	slt.u32 s8, $0xFFFFF086  }
0x1c: {  	p1 =	slt.u32 s9, $0xF7A;
	s5 =	simm.s32 @!p2 $0x0  }
0x1d: {  	s5 =	simm.s32 @p1 $0x1;
	p0 =	seq.s32 s7, s2  }
0x1e: {  	s7 =	smul.u32 @!p0 $0xF7A, s2;
	p2 =	seq.s32 @!p0 s5, $0x0  }
0x1f: {  	s9 =	smul.u32 $0xF7A, s1;
	s8 =	simm.s32 @!p0 $0x1BF5;
	p2 =	por !p2, p0  }
0x20: {  	[sflag:s8] =	ssyncset.s32 @!p0 $0xFFFFF086;
	s6 =	sadd.s32 @!p0 s3, s7;
	s7 =	simm.s32 @!p0 $0x108  }
0x21: {  	s3 =	sadd.s32 s3, s9;
	s6 =	sadd.s32 @!p0 $0x88, s6;
	s7 =	simm.s32 @p2 $0x1082  }
0x22: {  	[simem:s7], [sflag:s8] =	dma.local @!p0 [hbm:s6], $0xF7A  }
0x23: {  	s9 =	sor.u32 $0xD0000000, s2;
	s6 =	simm.s32 $0x108;
	_ =	swait.ge @!p0 [sflag:s8], $0x0  }
0x24: {  	s3 =	sadd.s32 $0x88, s3;
	s6 =	simm.s32 @!p1 $0x1082;
	[sflag:s4] =	ssyncset.s32 $0xFFFFF086  }
0x25: {  	[simem:s6], [sflag:s4] =	dma.local [hbm:s3], $0xF7A  }
0x26: {  	[smem:$0x3F9F] =	sst s1;
	(tag) =	ssettag s2;
	_ =	strace s9  }
0x27: {  	s1 =	sld [smem:$0x3FAF]  }
0x28: {  	s2 =	sld [smem:$0x3FB0]  }
0x29: {  	s4 =	sld [smem:$0x3FB2]  }
0x2a: {  	p0 =	seq.s32 s5, $0x0;
	s5 =	sld [smem:$0x3FB3]  }
0x2b: {  	s6 =	sld [smem:$0x3FB4]  }
0x2c: {  	s7 =	sld [smem:$0x3FB5]  }
0x2d: {  	s3 =	simm.s32 $0x108;
	s8 =	sld [smem:$0x3FB6]  }
0x2e: {  	s3 =	simm.s32 @!p0 $0x1082;
	s9 =	sld [smem:$0x3FB7]  }
0x2f: {  	lr =	sadd.s32 s0, s3;
	s0 =	sld [smem:$0x3FAE]  }
0x30: {  	s3 =	sld [smem:$0x3FB1]  }
0x31: {  	[smem:$0x3FBA] =	sst s10  }
0x32: {  	s10 =	sld [smem:$0x3FB8];
	_ =	sdelay $0x3  }
0x33: {  	p0 =	seq.s32 s10, $0x1;
	s10 =	sld [smem:$0x3FBA];
	_ =	sdelay $0x3  }
0x34: {  	[smem:$0x3FBA] =	sst s10  }
0x35: {  	s10 =	sld [smem:$0x3FB9];
	_ =	sdelay $0x3  }
0x36: {  	p1 =	seq.s32 s10, $0x1;
	s10 =	sld [smem:$0x3FBA];
	_ =	sdelay $0x3  }
0x37: {  	[smem:$0x3FBA] =	sst s10  }
0x38: {  	s10 =	sld [smem:$0x3FBB]  }
0x39: {  	_ = 	snop;
	(pc) =	sbr.ind lr, $3  }
0x3a: {  	_ = 	snop  }
0x3b: {  	_ = 	snop  }
0x3c: {  	p2 =	seq.s32 s10, $0x1;
	s10 =	sld [smem:$0x3FBA]  }
0x3d: {  	_ =	shalt  }
0x3e: {  	_ =	shalt  }
0x3f: {  	_ =	shalt  }
0x40: {  	_ =	shalt  }
0x41: {  	_ =	shalt  }
0x42: {  	_ =	shalt  }
0x43: {  	_ =	shalt  }
0x44: {  	_ =	shalt  }
0x45: {  	_ =	shalt  }
0x46: {  	_ =	shalt  }
0x47: {  	_ =	shalt  }
0x48: {  	_ =	shalt  }
0x49: {  	_ =	shalt  }
0x4a: {  	_ =	shalt  }
0x4b: {  	_ =	shalt  }
0x4c: {  	_ =	shalt  }
0x4d: {  	_ =	shalt  }
0x4e: {  	_ =	shalt  }
0x4f: {  	_ =	shalt  }
0x50: {  	_ =	shalt  }
0x51: {  	_ =	shalt  }
0x52: {  	_ =	shalt  }
0x53: {  	_ =	shalt  }
0x54: {  	_ =	shalt  }
0x55: {  	_ =	shalt  }
0x56: {  	_ =	shalt  }
0x57: {  	_ =	shalt  }
0x58: {  	_ =	shalt  }
0x59: {  	_ =	shalt  }
0x5a: {  	_ =	shalt  }
0x5b: {  	_ =	shalt  }
0x5c: {  	_ =	shalt  }
0x5d: {  	_ =	shalt  }
0x5e: {  	_ =	shalt  }
0x5f: {  	_ =	shalt  }
0x60: {  	_ =	shalt  }
0x61: {  	_ =	shalt  }
0x62: {  	_ =	shalt  }
0x63: {  	_ =	shalt  }
0x64: {  	_ =	shalt  }
0x65: {  	_ =	shalt  }
0x66: {  	_ =	shalt  }
0x67: {  	_ =	shalt  }
0x68: {  	_ =	shalt  }
0x69: {  	_ =	shalt  }
0x6a: {  	_ =	shalt  }
0x6b: {  	_ =	shalt  }
0x6c: {  	_ =	shalt  }
0x6d: {  	_ =	shalt  }
0x6e: {  	_ =	shalt  }
0x6f: {  	_ =	shalt  }
0x70: {  	_ =	shalt  }
0x71: {  	_ =	shalt  }
0x72: {  	_ =	shalt  }
0x73: {  	_ =	shalt  }
0x74: {  	_ =	shalt  }
0x75: {  	_ =	shalt  }
0x76: {  	_ =	shalt  }
0x77: {  	_ =	shalt  }
0x78: {  	_ =	shalt  }
0x79: {  	_ =	shalt  }
0x7a: {  	_ =	shalt  }
0x7b: {  	_ =	shalt  }
0x7c: {  	_ =	shalt  }
0x7d: {  	_ =	shalt  }
0x7e: {  	_ =	shalt  }
0x7f: {  	_ =	shalt  }
0x80: {  	_ =	shalt  }
0x81: {  	_ =	shalt  }
0x82: {  	_ =	shalt  }
0x83: {  	_ =	shalt  }
0x84: {  	_ =	shalt  }
0x85: {  	_ =	shalt  }
0x86: {  	_ =	shalt  }
0x87: {  	_ =	shalt  }
.Lfunc_end0:
.L_simem_size_0:
called_computation_lowered:
.L_overlay_start_0:
0x88: {  	s2 =	sld [smem:$0x3FD9]  }
0x89: {  	s3 =	sld [smem:$0x3FFE];
	_ =	sdelay $0x1  }
0x8a: {  	s1 =	srdreg.scid  }
0x8b: {  	s0 =	sand.u32 $0x1, s1  }
0x8c: {  	s16 =	sshll.u32 s0, $0xA;
	s2 =	sadd.s32 s3, s2  }
0x8d: {  	s2 =	sadd.s32 s2, s16  }
0x8e: {  	[smem:$0x3FC6] =	sst s2  }
0x8f: {  	_ = 	snop  }
0x90: {  	(tm) =	ssettm $0x1  }
0x91: {  	s17 =	sld [smem:$0x3FFB];
	_ =	sdelay $0x3  }
0x92: {  	_ =	strace s17  }
0x93: {  	s2 =	sld [smem:$0x3FFC];
	_ =	sdelay $0x3  }
0x94: {  	_ =	strace s2  }
0x95: {  	s2 =	sld [smem:$0x3FFD];
	_ =	sdelay $0x3  }
0x96: {  	_ =	strace s2  }
0x97: {  	_ =	strace $0x8FFFFFFF  }
0x98: {  	s18 =	sld [smem:$0x3FDB];
	_ =	sdelay $0x1  }
0x99: {  	s19 =	simm.s32 $_scs_section_size  }
0x9a: {  	s4 =	simm.s32 $_size__tile_overlayer_lowered;
	s5 =	simm.s32 $_tile_overlayer_lowered  }
0x9b: {  	s22 =	simm.s32 $0x1BFF;
	s21 =	sshll.u32 s5, $0x1;
	s2 =	sadd.s32 s19, s18  }
0x9c: {  	s6 =	simm.s32 $0x0;
	s20 =	sshll.u32 s4, $0x1;
	s4 =	sadd.s32 s21, s2  }
0x9d: {  	[timem:s6], [sflag:s22] =	dma.local [hbm:s4], s20  }
0x9e: {  	_ =	swait.ge [sflag:s22], s20  }
0x9f: {  	s3 =	ssub.s32 $0x0, s20;
	[sflag:s22] =	ssyncset.done $0x0  }
0xa0: {  	[sflag:s22] =	ssyncadd.s32 s3;
	_ =	sdelay $0x1  }
0xa1: {  	s23 =	simm.s32 $0x1B8B  }
0xa2: {  	_ =	swait.ge [sflag:s23], $0x1  }
0xa3: {  	[sflag:s23] =	ssyncset.done $0x0  }
0xa4: {  	s25 =	simm.s32 $0x1B8E;
	s24 =	sld [smem:$0x3FFE];
	[sflag:s23] =	ssyncadd.s32 $0xFFFFFFFF  }
0xa5: {  	s26 =	simm.s32 $execute0_lowered;
	[smem:$0x3FD2] =	sst s25  }
0xa6: {  	s4 =	sshll.u32 s26, $0x1;
	_ =	strace $0x80000046;
	[dreg:$0x1] =	wrdreg $0xFFFFFFFF  }
0xa7: {  	s28 =	simm.s32 $_size_execute0_lowered;
	s2 =	sadd.s32 s2, s4;
	[dreg:$0x0] =	wrdreg $0x0  }
0xa8: {  	s4 =	sshll.u32 s28, $0x1;
	[dreg:$0x2] =	wrdreg s2  }
0xa9: {  	[dreg:$0x3] =	wrdreg s4  }
0xaa: {  	[dreg:$0x4] =	wrdreg $0xC0  }
0xab: {  	_ =	task [dreg:s6], $0x5FFFF  }
0xac: {  	[dreg:$0x1] =	wrdreg $0xFFFFFFFF  }
0xad: {  	[dreg:$0x0] =	wrdreg $0x60  }
0xae: {  	[dreg:$0x2] =	wrdreg s24  }
0xaf: {  	[dreg:$0x3] =	wrdreg $0x9  }
0xb0: {  	_ =	task.clear_ibuf [dreg:s6], $0x4FFFF;
	_ =	strace $0x90000046  }
0xb1: {  	s29 =	simm.s32 $0x9;
	_ =	strace $0x80000048  }
0xb2: {  	_ =	swait.ge [sflag:s29], $0x1  }
0xb3: {  	[sflag:s29] =	ssyncadd.s32 $0xFFFFFFFF  }
0xb4: {  	_ =	strace $0x90000048  }
0xb5: {  	_ =	sfence  }
0xb6: {  	s30 =	sld [smem:$0x0];
	_ =	sdelay $0x2  }
0xb7: {  	s31 =	sshll.u32 s1, $0xD;
	s1 =	sshrl.u32 s1, $0x2  }
0xb8: {  	s3 =	sand.u32 $0x4000, s31;
	s1 =	sadd.s32 s1, s30  }
0xb9: {  	s0 =	sor.u32 s3, s0;
	s1 =	sshll.u32 s1, $0x11  }
0xba: {  	s0 =	sor.u32 s1, s0  }
0xbb: {  	s0 =	sadd.s32 $0x8F2B, s0  }
0xbc: {  	[sflag:s0] =	ssyncadd.remote.s32 $0x1  }
0xbd: {  	_ =	sfence.sel $0xFFFF  }
0xbe: {  	[dreg:$0x0] =	wrdreg $0xFFFFFFFF;
	(pc) =	sbr.abs _section_cstart, $3  }
0xbf: {  	[dreg:$0x1] =	wrdreg $0xFFFFFFFF  }
0xc0: {  	_ =	task.clear_ibuf [dreg:s6], $0x2FFFF;
	_ =	strace $0x9FFFFFFF  }
0xc1: {  	(tm) =	ssettm $0x7FFFFFFF  }
tec
execute0_lowered:
.L_overlay_start_1:
0x0: {  	(tag) =	ssettag $0x1  }
0x1: {  	s0 =	srdreg.scid  }
0x2: {  	s8 =	stileid.u32;
	s1 =	rddreg [dreg:$0x0];
	s2 =	simm.s32 $0x0  }
0x3: {  	s11 =	simm.s32 $0x80;
	s12 =	simm.s32 $0x3400;
	s13 =	simm.s32 $0x4400  }
0x4: {  	s15 =	simm.s32 $0x5400;
	s16 =	simm.s32 $0x180;
	s17 =	simm.s32 $0x6400  }
0x5: {  	s18 =	simm.s32 $0x200;
	s19 =	simm.s32 $0x7400;
	s20 =	simm.s32 $0x280  }
0x6: {  	s21 =	simm.s32 $0x8400;
	s22 =	simm.s32 $0x300;
	s23 =	simm.s32 $0x9400  }
0x7: {  	s24 =	simm.s32 $0x380;
	s28 =	simm.s32 $0x2;
	s6 =	smul.u32 $0xD0000, s8  }
0x8: {  	s0 =	sand.u32 $0x1, s0;
	s3 =	sshll.u32 s8, $0x1;
	s8 =	smul.u32 $0x6800, s8  }
0x9: {  	s29 =	simm.s32 $0x3;
	s30 =	simm.s32 $0x4;
	s10 =	smul.u32 $0x3400, s0  }
0xa: {  	s3 =	sor.u32 s0, s3;
	s7 =	ssub.s32 $0x2, s0;
	s0 =	smul.u32 $0x68000, s0  }
0xb: {  	s31 =	simm.s32 $0x0;
	[smem:$0x7FF] =	sst s2;
	s4 =	smul.u32 $0x3400, s3  }
0xc: {  	_ =	strace $0x80000047;
	s5 =	smul.u32 $0x68000, s3;
	s9 =	sshrl.u32 s7, $0x1  }
0xd: {  	s3 =	sadd.s32 $0xD400, s1;
	s7 =	ssub.s32 s7, s9;
	s8 =	sadd.s32 s10, s8  }
0xe: {  	s0 =	sadd.s32 s0, s6;
	s10 =	simm.s32 $0x5;
	s4 =	sshrl.u32 s4, $0x3  }
0xf: {  	s5 =	sshrl.u32 s5, $0x3;
	s8 =	sshll.u32 s8, $0x2;
	s0 =	sshrl.u32 s0, $0x3  }
0x10: {  	s7 =	smax.u32 s7, $0x1;
	s4 =	sadd.s32 s4, s1;
	s1 =	sadd.s32 $0x3ED400, s1  }
0x11: {  	s4 =	sadd.s32 $0x400, s4;
	s25 =	sadd.s32 s1, s5;
	s26 =	sadd.s32 s8, s1  }
0x12: {  	s8 =	sadd.s32 s0, s1;
	s5 =	sadd.s32 $0xC000, s25;
	s6 =	sadd.s32 $0xC800, s25  }
0x13: {  	s9 =	sadd.s32 $0x800, s26;
	s25 =	simm.s32 $0xA400;
	s26 =	simm.s32 $0x1  }
.LBB2_1:
0x14: {  	[tilespmem:s2], [sflag:$0x5] =	stream.linear.gather [hbm4b:s4+s2], $0x3400, $0x38;
	[tilespmem:$0xB400] =	vst v63  }
0x15: {  	_ =	swait.ge [sflag:s10], $0x3400  }
0x16: {  	[sflag:s10] =	ssyncset.done $0x0  }
0x17: {  	[sflag:s10] =	ssyncadd.s32 $0xFFFFCC00  }
0x18: {  	[tilespmem:s12], [sflag:$0x1] =	stream.indirect.gather [hbm4b:s3+s11], $0x20, s2, s11, $0xb8;
	[tilespmem:$0xB400] =	vst v63  }
0x19: {  	_ = 	snop  }
0x1a: {  	[tilespmem:s13], [sflag:$0x1] =	stream.indirect.gather [hbm4b:s3+s11], $0x20, s11, s11, $0xb8;
	[tilespmem:$0xB400] =	vst v63  }
0x1b: {  	s0 =	simm.s32 $0x100  }
0x1c: {  	[tilespmem:s15], [sflag:$0x1] =	stream.indirect.gather [hbm4b:s3+s11], $0x20, s0, s11, $0xb8;
	[tilespmem:$0xB400] =	vst v63  }
0x1d: {  	_ = 	snop  }
0x1e: {  	[tilespmem:s17], [sflag:$0x1] =	stream.indirect.gather [hbm4b:s3+s11], $0x20, s16, s11, $0xb8;
	[tilespmem:$0xB400] =	vst v63  }
0x1f: {  	_ = 	snop  }
0x20: {  	[tilespmem:s19], [sflag:$0x2] =	stream.indirect.gather [hbm4b:s3+s11], $0x20, s18, s11, $0xb8;
	[tilespmem:$0xB400] =	vst v63  }
0x21: {  	_ = 	snop  }
0x22: {  	[tilespmem:s21], [sflag:$0x2] =	stream.indirect.gather [hbm4b:s3+s11], $0x20, s20, s11, $0xb8;
	[tilespmem:$0xB400] =	vst v63  }
0x23: {  	_ = 	snop  }
0x24: {  	[tilespmem:s23], [sflag:$0x2] =	stream.indirect.gather [hbm4b:s3+s11], $0x20, s22, s11, $0xb8;
	[tilespmem:$0xB400] =	vst v63  }
0x25: {  	_ = 	snop  }
0x26: {  	[tilespmem:s25], [sflag:$0x2] =	stream.indirect.gather [hbm4b:s3+s11], $0x20, s24, s11, $0xb8;
	[tilespmem:$0xB400] =	vst v63  }
0x27: {  	_ =	swait.ge [sflag:s26], $0x1000  }
0x28: {  	[sflag:s26] =	ssyncset.done $0x0  }
0x29: {  	[sflag:s26] =	ssyncadd.s32 $0xFFFFF000  }
0x2a: {  	_ =	swait.ge [sflag:s26], $0x1000  }
0x2b: {  	[sflag:s26] =	ssyncset.done $0x0  }
0x2c: {  	[sflag:s26] =	ssyncadd.s32 $0xFFFFF000  }
0x2d: {  	_ =	swait.ge [sflag:s26], $0x1000  }
0x2e: {  	[sflag:s26] =	ssyncset.done $0x0  }
0x2f: {  	[sflag:s26] =	ssyncadd.s32 $0xFFFFF000  }
0x30: {  	_ =	swait.ge [sflag:s26], $0x1000  }
0x31: {  	[sflag:s26] =	ssyncset.done $0x0  }
0x32: {  	s14 =	sadd.s32 $0x0, s8;
	[sflag:s26] =	ssyncadd.s32 $0xFFFFF000  }
0x33: {  	[hbm4b:s14+s2] =	stream.linear.scatter [tilespmem:s12], [sflag:$0x3], $0x4000, $0x38;
	[tilespmem:$0xB400] =	vst v63  }
0x34: {  	_ =	swait.ge [sflag:s28], $0x1000  }
0x35: {  	[sflag:s28] =	ssyncset.done $0x0  }
0x36: {  	[sflag:s28] =	ssyncadd.s32 $0xFFFFF000  }
0x37: {  	_ =	swait.ge [sflag:s28], $0x1000  }
0x38: {  	[sflag:s28] =	ssyncset.done $0x0  }
0x39: {  	[sflag:s28] =	ssyncadd.s32 $0xFFFFF000  }
0x3a: {  	_ =	swait.ge [sflag:s28], $0x1000  }
0x3b: {  	[sflag:s28] =	ssyncset.done $0x0  }
0x3c: {  	[sflag:s28] =	ssyncadd.s32 $0xFFFFF000  }
0x3d: {  	_ =	swait.ge [sflag:s28], $0x1000  }
0x3e: {  	[sflag:s28] =	ssyncset.done $0x0  }
0x3f: {  	s1 =	sadd.s32 $0x0, s9;
	[sflag:s28] =	ssyncadd.s32 $0xFFFFF000  }
0x40: {  	[hbm4b:s1+s2] =	stream.linear.scatter [tilespmem:s19], [sflag:$0x4], $0x4000, $0x38;
	[tilespmem:$0xB400] =	vst v63  }
0x41: {  	_ =	swait.ge [sflag:s29], $0x4000  }
0x42: {  	[sflag:s29] =	ssyncset.done $0x0  }
0x43: {  	s14 =	simm.s32 $0x400;
	[sflag:s29] =	ssyncadd.s32 $0xFFFFC000  }
0x44: {  	[tilespmem:s12], [sflag:$0x1] =	stream.indirect.gather [hbm4b:s3+s11], $0x20, s14, s11, $0xb8;
	[tilespmem:$0xB400] =	vst v63  }
0x45: {  	s1 =	simm.s32 $0x480  }
0x46: {  	[tilespmem:s13], [sflag:$0x1] =	stream.indirect.gather [hbm4b:s3+s11], $0x20, s1, s11, $0xb8;
	[tilespmem:$0xB400] =	vst v63  }
0x47: {  	s14 =	simm.s32 $0x500  }
0x48: {  	[tilespmem:s15], [sflag:$0x1] =	stream.indirect.gather [hbm4b:s3+s11], $0x20, s14, s11, $0xb8;
	[tilespmem:$0xB400] =	vst v63  }
0x49: {  	s1 =	simm.s32 $0x580  }
0x4a: {  	[tilespmem:s17], [sflag:$0x1] =	stream.indirect.gather [hbm4b:s3+s11], $0x20, s1, s11, $0xb8;
	[tilespmem:$0xB400] =	vst v63  }
0x4b: {  	_ =	swait.ge [sflag:s30], $0x4000  }
0x4c: {  	[sflag:s30] =	ssyncset.done $0x0  }
0x4d: {  	s14 =	simm.s32 $0x600;
	[sflag:s30] =	ssyncadd.s32 $0xFFFFC000  }
0x4e: {  	[tilespmem:s19], [sflag:$0x2] =	stream.indirect.gather [hbm4b:s3+s11], $0x20, s14, s11, $0xb8;
	[tilespmem:$0xB400] =	vst v63  }
0x4f: {  	s1 =	simm.s32 $0x680  }
0x50: {  	[tilespmem:s21], [sflag:$0x2] =	stream.indirect.gather [hbm4b:s3+s11], $0x20, s1, s11, $0xb8;
	[tilespmem:$0xB400] =	vst v63  }
0x51: {  	s0 =	simm.s32 $0x780;
	s14 =	simm.s32 $0x700;
	s1 =	simm.s32 $0x1000  }
0x52: {  	[tilespmem:s23], [sflag:$0x2] =	stream.indirect.gather [hbm4b:s3+s11], $0x20, s14, s11, $0xb8;
	[tilespmem:$0xB400] =	vst v63  }
.LBB2_2:
0x53: {  	[tilespmem:s25], [sflag:$0x2] =	stream.indirect.gather [hbm4b:s3+s11], $0x20, s0, s11, $0xb8;
	[tilespmem:$0xB400] =	vst v63  }
0x54: {  	s0 =	smov.u32 s1  }
0x55: {  	p0 =	sne.s32 s1, $0xB000;
	s1 =	sadd.s32 $0x1000, s1;
	_ =	swait.ge [sflag:s26], $0x1000  }
0x56: {  	[sflag:s26] =	ssyncset.done $0x0  }
0x57: {  	[sflag:s26] =	ssyncadd.s32 $0xFFFFF000  }
0x58: {  	_ =	swait.ge [sflag:s26], $0x1000  }
0x59: {  	[sflag:s26] =	ssyncset.done $0x0  }
0x5a: {  	[sflag:s26] =	ssyncadd.s32 $0xFFFFF000  }
0x5b: {  	_ =	swait.ge [sflag:s26], $0x1000  }
0x5c: {  	[sflag:s26] =	ssyncset.done $0x0  }
0x5d: {  	[sflag:s26] =	ssyncadd.s32 $0xFFFFF000  }
0x5e: {  	_ =	swait.ge [sflag:s26], $0x1000  }
0x5f: {  	[sflag:s26] =	ssyncset.done $0x0  }
0x60: {  	s14 =	sadd.s32 s0, s8;
	[sflag:s26] =	ssyncadd.s32 $0xFFFFF000  }
0x61: {  	[hbm4b:s14+s2] =	stream.linear.scatter [tilespmem:s12], [sflag:$0x3], $0x4000, $0x38;
	[tilespmem:$0xB400] =	vst v63  }
0x62: {  	_ =	swait.ge [sflag:s28], $0x1000  }
0x63: {  	[sflag:s28] =	ssyncset.done $0x0  }
0x64: {  	[sflag:s28] =	ssyncadd.s32 $0xFFFFF000  }
0x65: {  	_ =	swait.ge [sflag:s28], $0x1000  }
0x66: {  	[sflag:s28] =	ssyncset.done $0x0  }
0x67: {  	[sflag:s28] =	ssyncadd.s32 $0xFFFFF000  }
0x68: {  	_ =	swait.ge [sflag:s28], $0x1000  }
0x69: {  	[sflag:s28] =	ssyncset.done $0x0  }
0x6a: {  	[sflag:s28] =	ssyncadd.s32 $0xFFFFF000  }
0x6b: {  	_ =	swait.ge [sflag:s28], $0x1000  }
0x6c: {  	[sflag:s28] =	ssyncset.done $0x0  }
0x6d: {  	s14 =	sadd.s32 s0, s9;
	[sflag:s28] =	ssyncadd.s32 $0xFFFFF000  }
0x6e: {  	[hbm4b:s14+s2] =	stream.linear.scatter [tilespmem:s19], [sflag:$0x4], $0x4000, $0x38;
	[tilespmem:$0xB400] =	vst v63  }
0x6f: {  	_ =	swait.ge [sflag:s29], $0x4000  }
0x70: {  	s0 =	sshra.s32 s0, $0x2;
	[sflag:s29] =	ssyncset.done $0x0  }
0x71: {  	s14 =	sadd.s32 $0x400, s0;
	[sflag:s29] =	ssyncadd.s32 $0xFFFFC000  }
0x72: {  	[tilespmem:s12], [sflag:$0x1] =	stream.indirect.gather [hbm4b:s3+s11], $0x20, s14, s11, $0xb8;
	[tilespmem:$0xB400] =	vst v63  }
0x73: {  	s14 =	sadd.s32 $0x480, s0  }
0x74: {  	[tilespmem:s13], [sflag:$0x1] =	stream.indirect.gather [hbm4b:s3+s11], $0x20, s14, s11, $0xb8;
	[tilespmem:$0xB400] =	vst v63  }
0x75: {  	s14 =	sadd.s32 $0x500, s0  }
0x76: {  	[tilespmem:s15], [sflag:$0x1] =	stream.indirect.gather [hbm4b:s3+s11], $0x20, s14, s11, $0xb8;
	[tilespmem:$0xB400] =	vst v63  }
0x77: {  	s14 =	sadd.s32 $0x580, s0  }
0x78: {  	[tilespmem:s17], [sflag:$0x1] =	stream.indirect.gather [hbm4b:s3+s11], $0x20, s14, s11, $0xb8;
	[tilespmem:$0xB400] =	vst v63  }
0x79: {  	_ =	swait.ge [sflag:s30], $0x4000  }
0x7a: {  	[sflag:s30] =	ssyncset.done $0x0  }
0x7b: {  	s14 =	sadd.s32 $0x600, s0;
	[sflag:s30] =	ssyncadd.s32 $0xFFFFC000  }
0x7c: {  	[tilespmem:s19], [sflag:$0x2] =	stream.indirect.gather [hbm4b:s3+s11], $0x20, s14, s11, $0xb8;
	[tilespmem:$0xB400] =	vst v63  }
.Ltmp0:
0x7d: {  	s14 =	sadd.s32 $0x680, s0;
	(pc) =	sbr.rel @p0 .LBB2_2-.Ltmp0, $4  }
0x7e: {  	[tilespmem:s21], [sflag:$0x2] =	stream.indirect.gather [hbm4b:s3+s11], $0x20, s14, s11, $0xb8;
	[tilespmem:$0xB400] =	vst v63  }
0x7f: {  	s14 =	sadd.s32 $0x700, s0  }
0x80: {  	[tilespmem:s23], [sflag:$0x2] =	stream.indirect.gather [hbm4b:s3+s11], $0x20, s14, s11, $0xb8;
	[tilespmem:$0xB400] =	vst v63  }
0x81: {  	s0 =	sadd.s32 $0x780, s0  }
0x82: {  	[tilespmem:s25], [sflag:$0x2] =	stream.indirect.gather [hbm4b:s3+s11], $0x20, s0, s11, $0xb8;
	[tilespmem:$0xB400] =	vst v63  }
0x83: {  	_ =	swait.ge [sflag:s26], $0x1000  }
0x84: {  	[sflag:s26] =	ssyncset.done $0x0  }
0x85: {  	[sflag:s26] =	ssyncadd.s32 $0xFFFFF000  }
0x86: {  	_ =	swait.ge [sflag:s26], $0x1000  }
0x87: {  	[sflag:s26] =	ssyncset.done $0x0  }
0x88: {  	[sflag:s26] =	ssyncadd.s32 $0xFFFFF000  }
0x89: {  	_ =	swait.ge [sflag:s26], $0x1000  }
0x8a: {  	[sflag:s26] =	ssyncset.done $0x0  }
0x8b: {  	[sflag:s26] =	ssyncadd.s32 $0xFFFFF000  }
0x8c: {  	_ =	swait.ge [sflag:s26], $0x1000  }
0x8d: {  	[sflag:s26] =	ssyncset.done $0x0  }
0x8e: {  	[sflag:s26] =	ssyncadd.s32 $0xFFFFF000  }
0x8f: {  	[hbm4b:s5+s2] =	stream.linear.scatter [tilespmem:s12], [sflag:$0x3], $0x4000, $0x38;
	[tilespmem:$0xB400] =	vst v63  }
0x90: {  	_ =	swait.ge [sflag:s28], $0x1000  }
0x91: {  	[sflag:s28] =	ssyncset.done $0x0  }
0x92: {  	[sflag:s28] =	ssyncadd.s32 $0xFFFFF000  }
0x93: {  	_ =	swait.ge [sflag:s28], $0x1000  }
0x94: {  	[sflag:s28] =	ssyncset.done $0x0  }
0x95: {  	[sflag:s28] =	ssyncadd.s32 $0xFFFFF000  }
0x96: {  	_ =	swait.ge [sflag:s28], $0x1000  }
0x97: {  	[sflag:s28] =	ssyncset.done $0x0  }
0x98: {  	[sflag:s28] =	ssyncadd.s32 $0xFFFFF000  }
0x99: {  	_ =	swait.ge [sflag:s28], $0x1000  }
0x9a: {  	[sflag:s28] =	ssyncset.done $0x0  }
0x9b: {  	s31 =	sadd.s32 $0x1, s31;
	[sflag:s28] =	ssyncadd.s32 $0xFFFFF000  }
0x9c: {  	[hbm4b:s6+s2] =	stream.linear.scatter [tilespmem:s19], [sflag:$0x4], $0x4000, $0x38;
	[tilespmem:$0xB400] =	vst v63  }
0x9d: {  	p0 =	sne.s32 s31, s7;
	_ =	swait.ge [sflag:s29], $0x4000  }
.Ltmp1:
0x9e: {  	[sflag:s29] =	ssyncset.done $0x0;
	(pc) =	sbr.rel @p0 .LBB2_1-.Ltmp1, $4  }
0x9f: {  	[sflag:s29] =	ssyncadd.s32 $0xFFFFC000  }
0xa0: {  	_ =	swait.ge [sflag:s30], $0x4000  }
0xa1: {  	[sflag:s30] =	ssyncset.done $0x0  }
0xa2: {  	[sflag:s30] =	ssyncadd.s32 $0xFFFFC000  }
0xa3: {  	_ =	sfence.sel $0x180000  }
0xa4: {  	[bflag:$0x0] =	sbarrier.arrive $0xFFFF  }
0xa5: {  	_ =	strace $0x90000047  }
0xa6: {  	s0 =	stileid.u32;
	[bflag:$0x2] =	sbarrier.arrive $0xFFFF  }
0xa7: {  	p0 =	sne.s32 s0, $0x0;
	s0 =	rddreg [dreg:$0x1]  }
0xa8: {  	s0 =	sadd.s32 @!p0 $0x100000, s0  }
0xa9: {  	[sflag:s0] =	ssyncadd.tile.s32 @!p0 $0x1;
	_ =	shalt  }
.Lfunc_end2:
_tile_overlayer_lowered:
.L_overlay_start_2:
0xaa: {  	(tag) =	ssettag $0x2  }
0xab: {  	s0 =	rddreg [dreg:$0x0];
	s2 =	stileid.u32  }
0xac: {  	s1 =	rddreg [dreg:$0x1];
	p0 =	sne.s32 s2, $0x0  }
0xad: {  	s3 =	rddreg [dreg:$0x2];
	[bflag:$0x3] =	sbarrier.arrive $0xFFFF;
	s2 =	simm.s32 @!p0 $0x1C05  }
0xae: {  	[timem:s3], [sflag:s2] =	dma.local @!p0 [hbm:s0], s1  }
0xaf: {  	s0 =	simm.s32 @!p0 $0x5  }
0xb0: {  	_ =	swait.ge @!p0 [sflag:s0], s1  }
0xb1: {  	s1 =	ssub.s32 @!p0 $0x0, s1;
	[sflag:s0] =	ssyncset.done @!p0 $0x0  }
0xb2: {  	[sflag:s0] =	ssyncadd.s32 @!p0 s1  }
0xb3: {  	[bflag:$0x3] =	sbarrier.arrive $0xFFFF  }
0xb4: {  	_ =	shalt  }

</sc_bundles>
